<compile_context>
chip_gen: v7x
topology: tpu7x:2x2x1
jax: 0.10.2.dev20260603
libtpu: 0.0.44.dev20260713+nightly
codegen_flags: <defaults>
</compile_context>

<pallas_src>
import functools

import jax
import jax.numpy as jnp
from jax import lax
from jax.experimental import pallas as pl
from jax.experimental.pallas import tpu as pltpu
from jax.experimental.pallas import tpu_sc as plsc

N_NODES = 10000
N_EDGES = 320000
D_IN = 128
D_H = 128
N_CLASSES = 2
N_GRAPHS = 64

NC = 2
NS = 16
NW = NC * NS
CHUNK = 128
CPW = 80
GW = 16
E_PAD = NW * CPW * CHUNK
RPT = 632
N_PAD = RPT * NS
ROW_BLK = 1000
NBLK = N_NODES // ROW_BLK

@functools.cache
def _sc_mesh():
    return plsc.VectorSubcoreMesh(
        core_axis_name="c", subcore_axis_name="s", num_cores=NC, num_subcores=NS)


def _deg_body(dst_hbm, ones_hbm, zeros_hbm, out_hbm, idx_v, ones_v, acc_sh, sem):
    c = lax.axis_index("c")
    s = lax.axis_index("s")
    wid = s * NC + c
    base = s * RPT
    pltpu.sync_copy(zeros_hbm.at[pl.ds(base, RPT)], acc_sh.at[pl.ds(base, RPT)])
    pltpu.sync_copy(dst_hbm.at[wid], idx_v)
    pltpu.sync_copy(ones_hbm, ones_v)
    plsc.subcore_barrier()

    KDEEP = 4

    def body(j, carry):
        @pl.when(j >= KDEEP)
        def _():
            pltpu.make_async_copy(ones_v, acc_sh.at[idx_v.at[j - KDEEP]], sem).wait()

        pltpu.async_copy(ones_v, acc_sh.at[idx_v.at[j]], sem, add=True)
        return carry

    lax.fori_loop(0, CPW, body, 0)

    def drain(j, carry):
        pltpu.make_async_copy(ones_v, acc_sh.at[idx_v.at[CPW - KDEEP + j]], sem).wait()
        return carry

    lax.fori_loop(0, KDEEP, drain, 0)
    plsc.subcore_barrier()
    pltpu.sync_copy(acc_sh.at[pl.ds(base, RPT)], out_hbm.at[c, pl.ds(base, RPT)])


@functools.cache
def _deg_call():
    return pl.kernel(
        _deg_body,
        out_type=jax.ShapeDtypeStruct((NC, N_PAD, D_IN), jnp.float32),
        mesh=_sc_mesh(),
        scratch_types=[
            pltpu.VMEM((CPW, CHUNK), jnp.int32),
            pltpu.VMEM((CHUNK, D_IN), jnp.float32),
            pltpu.VMEM_SHARED((N_PAD, D_IN), jnp.float32),
            pltpu.SemaphoreType.DMA,
        ],
    )


def _dinv_rows(deg_ref):
    d0 = deg_ref[0][:, 0:1]
    d1 = deg_ref[1][:, 0:1]
    return lax.rsqrt(d0 + d1 + 1.0)


def _z_body(deg_ref, x_ref, z_ref):
    z_ref[...] = x_ref[...] * _dinv_rows(deg_ref)


def _z_call(deg2, x):
    return pl.pallas_call(
        _z_body,
        grid=(NBLK,),
        in_specs=[
            pl.BlockSpec((NC, ROW_BLK, D_IN), lambda i: (0, i, 0)),
            pl.BlockSpec((ROW_BLK, D_IN), lambda i: (i, 0)),
        ],
        out_specs=pl.BlockSpec((ROW_BLK, D_IN), lambda i: (i, 0)),
        out_shape=jax.ShapeDtypeStruct((N_NODES, D_IN), jnp.float32),
    )(deg2, x)


def _agg_body(z_hbm, src_hbm, dst_hbm, out_hbm, srcv, dstv,
              rows0, rows1, acc_sh, sem0, sem1):
    c = lax.axis_index("c")
    s = lax.axis_index("s")
    wid = s * NC + c
    base = s * RPT
    @pl.when(s < NS - 1)
    def _():
        pltpu.sync_copy(z_hbm.at[pl.ds(base, RPT)], acc_sh.at[pl.ds(base, RPT)])

    @pl.when(s == NS - 1)
    def _():
        n_valid = N_NODES - (NS - 1) * RPT
        pltpu.sync_copy(z_hbm.at[pl.ds((NS - 1) * RPT, n_valid)],
                        acc_sh.at[pl.ds((NS - 1) * RPT, n_valid)])

    plsc.subcore_barrier()

    def group(g, carry):
        pltpu.sync_copy(src_hbm.at[wid, pl.ds(g * GW, GW)], srcv)
        pltpu.sync_copy(dst_hbm.at[wid, pl.ds(g * GW, GW)], dstv)
        pltpu.async_copy(z_hbm.at[srcv.at[0]], rows0, sem0)

        def body(jj, carry2):
            j0 = 2 * jj
            pltpu.async_copy(z_hbm.at[srcv.at[j0 + 1]], rows1, sem1)
            pltpu.make_async_copy(z_hbm.at[srcv.at[j0]], rows0, sem0).wait()
            pltpu.sync_copy(rows0, acc_sh.at[dstv.at[j0]], add=True)

            @pl.when(jj < GW // 2 - 1)
            def _():
                pltpu.async_copy(z_hbm.at[srcv.at[j0 + 2]], rows0, sem0)

            pltpu.make_async_copy(z_hbm.at[srcv.at[j0 + 1]], rows1, sem1).wait()
            pltpu.sync_copy(rows1, acc_sh.at[dstv.at[j0 + 1]], add=True)
            return carry2

        lax.fori_loop(0, GW // 2, body, 0)
        return carry

    lax.fori_loop(0, CPW // GW, group, 0)
    plsc.subcore_barrier()
    pltpu.sync_copy(acc_sh.at[pl.ds(base, RPT)], out_hbm.at[c, pl.ds(base, RPT)])


@functools.cache
def _agg_call():
    return pl.kernel(
        _agg_body,
        out_type=jax.ShapeDtypeStruct((NC, N_PAD, D_IN), jnp.float32),
        mesh=_sc_mesh(),
        scratch_types=[
            pltpu.VMEM((GW, CHUNK), jnp.int32),
            pltpu.VMEM((GW, CHUNK), jnp.int32),
            pltpu.VMEM((CHUNK, D_IN), jnp.float32),
            pltpu.VMEM((CHUNK, D_IN), jnp.float32),
            pltpu.VMEM_SHARED((N_PAD, D_IN), jnp.float32),
            pltpu.SemaphoreType.DMA,
            pltpu.SemaphoreType.DMA,
        ],
    )


def _tail_body(agg_ref, z_ref, deg_ref, batch_ref,
               W1_ref, b1_ref, W2_ref, b2_ref, Wf_ref, bf_ref,
               Wh1_ref, bh1_ref, Wh2_ref, bh2_ref,
               out_ref, ss_ref, sd_ref, sp_ref, cnt_ref):
    i = pl.program_id(0)

    @pl.when(i == 0)
    def _():
        ss_ref[...] = jnp.zeros_like(ss_ref)
        sd_ref[...] = jnp.zeros_like(sd_ref)
        sp_ref[...] = jnp.zeros_like(sp_ref)
        cnt_ref[...] = jnp.zeros_like(cnt_ref)

    dinv = _dinv_rows(deg_ref)
    y = (agg_ref[0] + agg_ref[1] - z_ref[...]) * dinv
    s_ = jnp.dot(y, W1_ref[...], preferred_element_type=jnp.float32) + b1_ref[...]
    d_ = jnp.dot(y, W2_ref[...], preferred_element_type=jnp.float32) + b2_ref[...]
    p_ = s_ * d_

    b = batch_ref[0, 0, :]
    oh = (b[:, None] == lax.broadcasted_iota(jnp.int32, (ROW_BLK, N_GRAPHS), 1))
    oh = oh.astype(jnp.float32)
    dn = (((0,), (0,)), ((), ()))
    ss_ref[...] += lax.dot_general(oh, s_, dn, preferred_element_type=jnp.float32)
    sd_ref[...] += lax.dot_general(oh, d_, dn, preferred_element_type=jnp.float32)
    sp_ref[...] += lax.dot_general(oh, p_, dn, preferred_element_type=jnp.float32)
    cnt_ref[...] += jnp.broadcast_to(jnp.sum(oh, axis=0)[:, None], (N_GRAPHS, D_H))

    @pl.when(i == NBLK - 1)
    def _():
        cnt = cnt_ref[...]
        c1 = jnp.maximum(cnt, 1.0)
        ms = ss_ref[...] / c1
        md = sd_ref[...] / c1
        mp = sp_ref[...] / c1
        Wf = Wf_ref[...]
        pooled = (jnp.dot(ms, Wf[0:D_H, :], preferred_element_type=jnp.float32)
                  + jnp.dot(md, Wf[D_H:2 * D_H, :], preferred_element_type=jnp.float32)
                  + jnp.dot(mp, Wf[2 * D_H:3 * D_H, :], preferred_element_type=jnp.float32)
                  + jnp.dot(ms - md, Wf[3 * D_H:4 * D_H, :], preferred_element_type=jnp.float32)
                  + bf_ref[...])
        pooled = jnp.where(cnt > 0.0, pooled, 0.0)
        h = jnp.maximum(
            jnp.dot(pooled, Wh1_ref[...], preferred_element_type=jnp.float32)
            + bh1_ref[...], 0.0)
        out_ref[...] = (jnp.dot(h, Wh2_ref[...], preferred_element_type=jnp.float32)
                        + bh2_ref[...])


def _tail_call(agg, z, deg2, batch3, W1, b1, W2, b2, Wf, bf, Wh1, bh1, Wh2, bh2):
    whole = lambda shape: pl.BlockSpec(shape, lambda i: tuple(0 for _ in shape))
    return pl.pallas_call(
        _tail_body,
        grid=(NBLK,),
        in_specs=[
            pl.BlockSpec((NC, ROW_BLK, D_IN), lambda i: (0, i, 0)),
            pl.BlockSpec((ROW_BLK, D_IN), lambda i: (i, 0)),
            pl.BlockSpec((NC, ROW_BLK, D_IN), lambda i: (0, i, 0)),
            pl.BlockSpec((1, 1, ROW_BLK), lambda i: (i, 0, 0)),
            whole((D_IN, D_H)), whole((1, D_H)),
            whole((D_IN, D_H)), whole((1, D_H)),
            whole((4 * D_H, D_H)), whole((1, D_H)),
            whole((D_H, D_H)), whole((1, D_H)),
            whole((D_H, N_CLASSES)), whole((1, N_CLASSES)),
        ],
        out_specs=pl.BlockSpec((N_GRAPHS, N_CLASSES), lambda i: (0, 0)),
        out_shape=jax.ShapeDtypeStruct((N_GRAPHS, N_CLASSES), jnp.float32),
        scratch_shapes=[
            pltpu.VMEM((N_GRAPHS, D_H), jnp.float32),
            pltpu.VMEM((N_GRAPHS, D_H), jnp.float32),
            pltpu.VMEM((N_GRAPHS, D_H), jnp.float32),
            pltpu.VMEM((N_GRAPHS, D_H), jnp.float32),
        ],
    )(agg, z, deg2, batch3, W1, b1, W2, b2, Wf, bf, Wh1, bh1, Wh2, bh2)


def kernel(x, edge_index, batch, W1, b1, W2, b2, Wf, bf, Wh1, bh1, Wh2, bh2):
    src = edge_index[0].astype(jnp.int32)
    dst = edge_index[1].astype(jnp.int32)
    pad = E_PAD - N_EDGES
    pad_src = (jnp.arange(pad, dtype=jnp.int32) * 97) % N_NODES
    pad_dst = N_NODES + (jnp.arange(pad, dtype=jnp.int32) % (N_PAD - N_NODES))
    src_p = jnp.concatenate([src, pad_src]).reshape(NW, CPW, CHUNK)
    dst_p = jnp.concatenate([dst, pad_dst]).reshape(NW, CPW, CHUNK)

    ones = jnp.ones((CHUNK, D_IN), jnp.float32)
    zerosw = jnp.zeros((N_PAD, D_IN), jnp.float32)

    deg2 = _deg_call()(dst_p, ones, zerosw)
    z = _z_call(deg2, x)
    agg = _agg_call()(z, src_p, dst_p)

    batch3 = batch.astype(jnp.int32).reshape(NBLK, 1, ROW_BLK)
    return _tail_call(agg, z, deg2, batch3,
                      W1, b1.reshape(1, D_H), W2, b2.reshape(1, D_H),
                      Wf, bf.reshape(1, D_H), Wh1, bh1.reshape(1, D_H),
                      Wh2, bh2.reshape(1, N_CLASSES))

# --- scband reference (transcript-rebuilt; emitter-appended) ---
"""Pipeline reference for scband-rumor-detection-model-76450417868973 (READ-ONLY COPY).

The authoritative reference and input builder live on the scoring server;
editing this copy changes nothing except your own understanding.
"""

import jax, jax.numpy as jnp
import numpy as np

N_NODES = 10000
N_EDGES = 320000
D_IN = 128
D_H = 128
N_CLASSES = 2
N_GRAPHS = 64


def gcn_conv(x, edge_index, W, b):
    # PyG GCNConv: x' = D^{-1/2} (A + I) D^{-1/2} X W + b
    xw = x @ W
    src = edge_index[0]
    dst = edge_index[1]
    loop = jnp.arange(N_NODES, dtype=edge_index.dtype)
    src = jnp.concatenate([src, loop])
    dst = jnp.concatenate([dst, loop])
    deg = jax.ops.segment_sum(jnp.ones_like(dst, dtype=xw.dtype), dst, num_segments=N_NODES)
    dinv = jnp.where(deg > 0, jax.lax.rsqrt(deg), 0.0)
    norm = dinv[src] * dinv[dst]
    msgs = jnp.take(xw, src, axis=0) * norm[:, None]
    out = jax.ops.segment_sum(msgs, dst, num_segments=N_NODES)
    return out + b


def setup_inputs(seed: int = 0) -> dict:
    key = jax.random.key(seed)
    ks = jax.random.split(key, 16)
    x = jax.random.normal(ks[0], (N_NODES, D_IN), dtype=jnp.float32)
    edge_index = jax.random.randint(ks[1], (2, N_EDGES), 0, N_NODES, dtype=jnp.int64 if jax.config.jax_enable_x64 else jnp.int32)
    batch = jnp.sort(jax.random.randint(ks[2], (N_NODES,), 0, N_GRAPHS, dtype=jnp.int32))
    s_in = 1.0 / np.sqrt(D_IN)
    s_h = 1.0 / np.sqrt(D_H)
    s_f = 1.0 / np.sqrt(4 * D_H)
    W1 = jax.random.uniform(ks[3], (D_IN, D_H), jnp.float32, -s_in, s_in)
    b1 = jnp.zeros((D_H,), jnp.float32)
    W2 = jax.random.uniform(ks[4], (D_IN, D_H), jnp.float32, -s_in, s_in)
    b2 = jnp.zeros((D_H,), jnp.float32)
    Wf = jax.random.uniform(ks[5], (4 * D_H, D_H), jnp.float32, -s_f, s_f)
    bf = jax.random.uniform(ks[6], (D_H,), jnp.float32, -s_f, s_f)
    Wh1 = jax.random.uniform(ks[7], (D_H, D_H), jnp.float32, -s_h, s_h)
    bh1 = jax.random.uniform(ks[8], (D_H,), jnp.float32, -s_h, s_h)
    Wh2 = jax.random.uniform(ks[9], (D_H, N_CLASSES), jnp.float32, -s_h, s_h)
    bh2 = jax.random.uniform(ks[10], (N_CLASSES,), jnp.float32, -s_h, s_h)
    return {"x": x, "edge_index": edge_index, "batch": batch,
            "W1": W1, "b1": b1, "W2": W2, "b2": b2,
            "Wf": Wf, "bf": bf, "Wh1": Wh1, "bh1": bh1, "Wh2": Wh2, "bh2": bh2}


def reference(x, edge_index, batch, W1, b1, W2, b2, Wf, bf, Wh1, bh1, Wh2, bh2):
    x_s = gcn_conv(x, edge_index, W1, b1)
    x_d = gcn_conv(x, edge_index, W2, b2)
    x_int = jnp.concatenate([x_s, x_d, x_s * x_d, x_s - x_d], axis=1)
    x_fused = x_int @ Wf + bf
    # global mean pool over graph ids
    sums = jax.ops.segment_sum(x_fused, batch, num_segments=N_GRAPHS)
    counts = jax.ops.segment_sum(jnp.ones((x_fused.shape[0],), x_fused.dtype), batch, num_segments=N_GRAPHS)
    pooled = sums / jnp.clip(counts, 1.0)[:, None]
    h = jax.nn.relu(pooled @ Wh1 + bh1)
    # dropout is identity in eval mode
    out = h @ Wh2 + bh2
    return out

if __name__ == "__main__":
    import jax
    _d = setup_inputs()
    print(jax.jit(kernel)(*tuple(_d.values())))

</pallas_src>

<mosaic_0001>
#map = affine_map<(d0, d1) -> (0, 0, 0)>
#map1 = affine_map<(d0, d1) -> (0, 0)>
module attributes {stable_mosaic.version = 14 : i64} {
  func.func @_deg_body(%arg0: i32, %arg1: i32, %arg2: memref<32x80x128xi32, #tpu.memory_space<hbm>>, %arg3: memref<128x128xf32, #tpu.memory_space<hbm>>, %arg4: memref<10112x128xf32, #tpu.memory_space<hbm>>, %arg5: memref<2x10112x128xf32, #tpu.memory_space<hbm>>, %arg6: memref<80x128xi32, #tpu.memory_space<vmem>>, %arg7: memref<128x128xf32, #tpu.memory_space<vmem>>, %arg8: memref<10112x128xf32, #tpu.memory_space<vmem_shared>>, %arg9: memref<!tpu.dma_semaphore, #tpu.memory_space<semaphore_mem>>) attributes {dimension_semantics = [#tpu.dimension_semantics<core_parallel>, #tpu.dimension_semantics<subcore_parallel>], iteration_bounds = array<i64: 2, 16>, scalar_prefetch = 0 : i64, scratch_operands = 4 : i64, tpu.core_type = #tpu.core_type<sc_vector_subcore>, window_params = [{transform_indices = #map}, {transform_indices = #map1}, {transform_indices = #map1}, {transform_indices = #map}]} {
    %mul3A = arith.constant 2 : i32
    %mul3A_0 = arith.muli %arg1, %mul3A : i32
    %add3A = arith.addi %mul3A_0, %arg0 : i32
    %mul3A_1 = arith.constant 632 : i32
    %mul3A_2 = arith.muli %arg1, %mul3A_1 : i32
    "tpu.region"() ({
      %run_scoped3A = tpu.sem_alloc : memref<!tpu.dma_semaphore, #tpu.memory_space<semaphore_mem>>
      %dma_start3A = arith.constant 0 : i32
      %dma_start3A_15 = tpu.memref_slice %arg8[%mul3A_2, %dma_start3A] : memref<10112x128xf32, #tpu.memory_space<vmem_shared>> -> memref<632x128xf32, #tpu.memory_space<vmem_shared>>
      %dma_start3A_16 = arith.constant 0 : i32
      %dma_start3A_17 = tpu.memref_slice %arg4[%mul3A_2, %dma_start3A_16] : memref<10112x128xf32, #tpu.memory_space<hbm>> -> memref<632x128xf32, #tpu.memory_space<hbm>>
      tpu.enqueue_dma source(%dma_start3A_17 : memref<632x128xf32, #tpu.memory_space<hbm>>) target(%dma_start3A_15 : memref<632x128xf32, #tpu.memory_space<vmem_shared>>) target_semaphore(%run_scoped3A : memref<!tpu.dma_semaphore, #tpu.memory_space<semaphore_mem>>)
      %dma_wait3A = arith.constant 0 : i32
      %dma_wait3A_18 = tpu.memref_slice %arg8[%mul3A_2, %dma_wait3A] : memref<10112x128xf32, #tpu.memory_space<vmem_shared>> -> memref<632x128xf32, #tpu.memory_space<vmem_shared>>
      %dma_wait3A_19 = arith.constant 0 : i32
      %dma_wait3A_20 = tpu.memref_slice %arg4[%mul3A_2, %dma_wait3A_19] : memref<10112x128xf32, #tpu.memory_space<hbm>> -> memref<632x128xf32, #tpu.memory_space<hbm>>
      tpu.wait_dma2 semaphore(%run_scoped3A : memref<!tpu.dma_semaphore, #tpu.memory_space<semaphore_mem>>) src(%dma_wait3A_20 : memref<632x128xf32, #tpu.memory_space<hbm>>) dst(%dma_wait3A_18 : memref<632x128xf32, #tpu.memory_space<vmem_shared>>)
      tpu.yield
    }) : () -> ()
    "tpu.region"() ({
      %run_scoped3A = tpu.sem_alloc : memref<!tpu.dma_semaphore, #tpu.memory_space<semaphore_mem>>
      %dma_start3A = arith.constant 0 : i32
      %dma_start3A_15 = arith.constant 0 : i32
      %dma_start3A_16 = tpu.memref_slice %arg2[%add3A, %dma_start3A, %dma_start3A_15] : memref<32x80x128xi32, #tpu.memory_space<hbm>> -> memref<1x80x128xi32, #tpu.memory_space<hbm>>
      %dma_start3A_17 = tpu.memref_squeeze %dma_start3A_16 : memref<1x80x128xi32, #tpu.memory_space<hbm>> -> memref<80x128xi32, #tpu.memory_space<hbm>>
      %dma_start3A_18 = arith.constant 0 : i32
      %dma_start3A_19 = arith.constant 0 : i32
      %dma_start3A_20 = tpu.memref_slice %arg2[%add3A, %dma_start3A_18, %dma_start3A_19] : memref<32x80x128xi32, #tpu.memory_space<hbm>> -> memref<1x80x128xi32, #tpu.memory_space<hbm>>
      %dma_start3A_21 = tpu.memref_squeeze %dma_start3A_20 : memref<1x80x128xi32, #tpu.memory_space<hbm>> -> memref<80x128xi32, #tpu.memory_space<hbm>>
      tpu.enqueue_dma source(%dma_start3A_21 : memref<80x128xi32, #tpu.memory_space<hbm>>) target(%arg6 : memref<80x128xi32, #tpu.memory_space<vmem>>) target_semaphore(%run_scoped3A : memref<!tpu.dma_semaphore, #tpu.memory_space<semaphore_mem>>)
      %dma_wait3A = arith.constant 0 : i32
      %dma_wait3A_22 = arith.constant 0 : i32
      %dma_wait3A_23 = tpu.memref_slice %arg2[%add3A, %dma_wait3A, %dma_wait3A_22] : memref<32x80x128xi32, #tpu.memory_space<hbm>> -> memref<1x80x128xi32, #tpu.memory_space<hbm>>
      %dma_wait3A_24 = tpu.memref_squeeze %dma_wait3A_23 : memref<1x80x128xi32, #tpu.memory_space<hbm>> -> memref<80x128xi32, #tpu.memory_space<hbm>>
      %dma_wait3A_25 = arith.constant 0 : i32
      %dma_wait3A_26 = arith.constant 0 : i32
      %dma_wait3A_27 = tpu.memref_slice %arg2[%add3A, %dma_wait3A_25, %dma_wait3A_26] : memref<32x80x128xi32, #tpu.memory_space<hbm>> -> memref<1x80x128xi32, #tpu.memory_space<hbm>>
      %dma_wait3A_28 = tpu.memref_squeeze %dma_wait3A_27 : memref<1x80x128xi32, #tpu.memory_space<hbm>> -> memref<80x128xi32, #tpu.memory_space<hbm>>
      tpu.wait_dma2 semaphore(%run_scoped3A : memref<!tpu.dma_semaphore, #tpu.memory_space<semaphore_mem>>) src(%dma_wait3A_28 : memref<80x128xi32, #tpu.memory_space<hbm>>) dst(%arg6 : memref<80x128xi32, #tpu.memory_space<vmem>>)
      tpu.yield
    }) : () -> ()
    "tpu.region"() ({
      %run_scoped3A = tpu.sem_alloc : memref<!tpu.dma_semaphore, #tpu.memory_space<semaphore_mem>>
      tpu.enqueue_dma source(%arg3 : memref<128x128xf32, #tpu.memory_space<hbm>>) target(%arg7 : memref<128x128xf32, #tpu.memory_space<vmem>>) target_semaphore(%run_scoped3A : memref<!tpu.dma_semaphore, #tpu.memory_space<semaphore_mem>>)
      tpu.wait_dma2 semaphore(%run_scoped3A : memref<!tpu.dma_semaphore, #tpu.memory_space<semaphore_mem>>) src(%arg3 : memref<128x128xf32, #tpu.memory_space<hbm>>) dst(%arg7 : memref<128x128xf32, #tpu.memory_space<vmem>>)
      tpu.yield
    }) : () -> ()
    %barrier3A = arith.constant 0 : index
    tpu.barrier barrier_id(%barrier3A)
    %scan3A = arith.constant 0 : i32
    %scan3A_3 = arith.constant 0 : i32
    %scan3A_4 = arith.constant 80 : i32
    %scan3A_5 = arith.addi %scan3A_3, %scan3A_4 : i32
    %scan3A_6 = arith.constant 1 : i32
    scf.for %scan3A_15 = %scan3A_3 to %scan3A_5 step %scan3A_6  : i32 {
      %ge3A = arith.constant 4 : i32
      %ge3A_16 = arith.cmpi sge, %scan3A_15, %ge3A : i32
      %convert_element_type3A = arith.extui %ge3A_16 : i1 to i32
      %cond3A = arith.constant 0 : i32
      %cond3A_17 = arith.cmpi ne, %convert_element_type3A, %cond3A : i32
      scf.if %cond3A_17 {
        %sub3A = arith.constant 4 : i32
        %sub3A_23 = arith.subi %scan3A_15, %sub3A : i32
        %dma_wait3A = arith.constant 0 : i32
        %dma_wait3A_24 = tpu.memref_slice %arg6[%sub3A_23, %dma_wait3A] : memref<80x128xi32, #tpu.memory_space<vmem>> -> memref<1x128xi32, #tpu.memory_space<vmem>>
        %dma_wait3A_25 = tpu.memref_squeeze %dma_wait3A_24 : memref<1x128xi32, #tpu.memory_space<vmem>> -> memref<128xi32, #tpu.memory_space<vmem>>
        %dma_wait3A_26 = arith.constant 0 : i32
        %dma_wait3A_27 = arith.constant 0 : i32
        %dma_wait3A_28 = tpu.memref_slice %arg8[%dma_wait3A_26, %dma_wait3A_27] : memref<10112x128xf32, #tpu.memory_space<vmem_shared>> -> memref<10112x128xf32, #tpu.memory_space<vmem_shared>>
        tpu.wait_indirect_dma semaphore(%arg9 : memref<!tpu.dma_semaphore, #tpu.memory_space<semaphore_mem>>) src(%arg7 : memref<128x128xf32, #tpu.memory_space<vmem>>) dst(%dma_wait3A_28 : memref<10112x128xf32, #tpu.memory_space<vmem_shared>>)
      } else {
      }
      %dma_start3A = arith.constant 0 : i32
      %dma_start3A_18 = tpu.memref_slice %arg6[%scan3A_15, %dma_start3A] : memref<80x128xi32, #tpu.memory_space<vmem>> -> memref<1x128xi32, #tpu.memory_space<vmem>>
      %dma_start3A_19 = tpu.memref_squeeze %dma_start3A_18 : memref<1x128xi32, #tpu.memory_space<vmem>> -> memref<128xi32, #tpu.memory_space<vmem>>
      %dma_start3A_20 = arith.constant 0 : i32
      %dma_start3A_21 = arith.constant 0 : i32
      %dma_start3A_22 = tpu.memref_slice %arg8[%dma_start3A_20, %dma_start3A_21] : memref<10112x128xf32, #tpu.memory_space<vmem_shared>> -> memref<10112x128xf32, #tpu.memory_space<vmem_shared>>
      tpu.enqueue_indirect_dma source(%arg7 : memref<128x128xf32, #tpu.memory_space<vmem>>) target(%dma_start3A_22 : memref<10112x128xf32, #tpu.memory_space<vmem_shared>>) offsets(%dma_start3A_19 : memref<128xi32, #tpu.memory_space<vmem>>) semaphore(%arg9 : memref<!tpu.dma_semaphore, #tpu.memory_space<semaphore_mem>>) {add = true}
    }
    %scan3A_7 = arith.constant 80 : i32
    %scan3A_8 = arith.constant 0 : i32
    %scan3A_9 = arith.constant 0 : i32
    %scan3A_10 = arith.constant 4 : i32
    %scan3A_11 = arith.addi %scan3A_9, %scan3A_10 : i32
    %scan3A_12 = arith.constant 1 : i32
    scf.for %scan3A_15 = %scan3A_9 to %scan3A_11 step %scan3A_12  : i32 {
      %add3A_16 = arith.constant 76 : i32
      %add3A_17 = arith.addi %add3A_16, %scan3A_15 : i32
      %dma_wait3A = arith.constant 0 : i32
      %dma_wait3A_18 = tpu.memref_slice %arg6[%add3A_17, %dma_wait3A] : memref<80x128xi32, #tpu.memory_space<vmem>> -> memref<1x128xi32, #tpu.memory_space<vmem>>
      %dma_wait3A_19 = tpu.memref_squeeze %dma_wait3A_18 : memref<1x128xi32, #tpu.memory_space<vmem>> -> memref<128xi32, #tpu.memory_space<vmem>>
      %dma_wait3A_20 = arith.constant 0 : i32
      %dma_wait3A_21 = arith.constant 0 : i32
      %dma_wait3A_22 = tpu.memref_slice %arg8[%dma_wait3A_20, %dma_wait3A_21] : memref<10112x128xf32, #tpu.memory_space<vmem_shared>> -> memref<10112x128xf32, #tpu.memory_space<vmem_shared>>
      tpu.wait_indirect_dma semaphore(%arg9 : memref<!tpu.dma_semaphore, #tpu.memory_space<semaphore_mem>>) src(%arg7 : memref<128x128xf32, #tpu.memory_space<vmem>>) dst(%dma_wait3A_22 : memref<10112x128xf32, #tpu.memory_space<vmem_shared>>)
    }
    %scan3A_13 = arith.constant 4 : i32
    %barrier3A_14 = arith.constant 0 : index
    tpu.barrier barrier_id(%barrier3A_14)
    "tpu.region"() ({
      %run_scoped3A = tpu.sem_alloc : memref<!tpu.dma_semaphore, #tpu.memory_space<semaphore_mem>>
      %dma_start3A = arith.constant 0 : i32
      %dma_start3A_15 = tpu.memref_slice %arg5[%arg0, %mul3A_2, %dma_start3A] : memref<2x10112x128xf32, #tpu.memory_space<hbm>> -> memref<1x632x128xf32, #tpu.memory_space<hbm>>
      %dma_start3A_16 = tpu.memref_squeeze %dma_start3A_15 : memref<1x632x128xf32, #tpu.memory_space<hbm>> -> memref<632x128xf32, #tpu.memory_space<hbm>>
      %dma_start3A_17 = arith.constant 0 : i32
      %dma_start3A_18 = tpu.memref_slice %arg8[%mul3A_2, %dma_start3A_17] : memref<10112x128xf32, #tpu.memory_space<vmem_shared>> -> memref<632x128xf32, #tpu.memory_space<vmem_shared>>
      tpu.enqueue_dma source(%dma_start3A_18 : memref<632x128xf32, #tpu.memory_space<vmem_shared>>) target(%dma_start3A_16 : memref<632x128xf32, #tpu.memory_space<hbm>>) target_semaphore(%run_scoped3A : memref<!tpu.dma_semaphore, #tpu.memory_space<semaphore_mem>>)
      %dma_wait3A = arith.constant 0 : i32
      %dma_wait3A_19 = tpu.memref_slice %arg5[%arg0, %mul3A_2, %dma_wait3A] : memref<2x10112x128xf32, #tpu.memory_space<hbm>> -> memref<1x632x128xf32, #tpu.memory_space<hbm>>
      %dma_wait3A_20 = tpu.memref_squeeze %dma_wait3A_19 : memref<1x632x128xf32, #tpu.memory_space<hbm>> -> memref<632x128xf32, #tpu.memory_space<hbm>>
      %dma_wait3A_21 = arith.constant 0 : i32
      %dma_wait3A_22 = tpu.memref_slice %arg8[%mul3A_2, %dma_wait3A_21] : memref<10112x128xf32, #tpu.memory_space<vmem_shared>> -> memref<632x128xf32, #tpu.memory_space<vmem_shared>>
      tpu.wait_dma2 semaphore(%run_scoped3A : memref<!tpu.dma_semaphore, #tpu.memory_space<semaphore_mem>>) src(%dma_wait3A_22 : memref<632x128xf32, #tpu.memory_space<vmem_shared>>) dst(%dma_wait3A_20 : memref<632x128xf32, #tpu.memory_space<hbm>>)
      tpu.yield
    }) : () -> ()
    return
  }
}

#map = affine_map<(d0, d1) -> (0, 0)>
#map1 = affine_map<(d0, d1) -> (0, 0, 0)>
module attributes {stable_mosaic.version = 14 : i64} {
  func.func @_agg_body(%arg0: i32, %arg1: i32, %arg2: memref<10000x128xf32, #tpu.memory_space<hbm>>, %arg3: memref<32x80x128xi32, #tpu.memory_space<hbm>>, %arg4: memref<32x80x128xi32, #tpu.memory_space<hbm>>, %arg5: memref<2x10112x128xf32, #tpu.memory_space<hbm>>, %arg6: memref<16x128xi32, #tpu.memory_space<vmem>>, %arg7: memref<16x128xi32, #tpu.memory_space<vmem>>, %arg8: memref<128x128xf32, #tpu.memory_space<vmem>>, %arg9: memref<128x128xf32, #tpu.memory_space<vmem>>, %arg10: memref<10112x128xf32, #tpu.memory_space<vmem_shared>>, %arg11: memref<!tpu.dma_semaphore, #tpu.memory_space<semaphore_mem>>, %arg12: memref<!tpu.dma_semaphore, #tpu.memory_space<semaphore_mem>>) attributes {dimension_semantics = [#tpu.dimension_semantics<core_parallel>, #tpu.dimension_semantics<subcore_parallel>], iteration_bounds = array<i64: 2, 16>, scalar_prefetch = 0 : i64, scratch_operands = 7 : i64, tpu.core_type = #tpu.core_type<sc_vector_subcore>, window_params = [{transform_indices = #map}, {transform_indices = #map1}, {transform_indices = #map1}, {transform_indices = #map1}]} {
    %mul3A = arith.constant 2 : i32
    %mul3A_0 = arith.muli %arg1, %mul3A : i32
    %add3A = arith.addi %mul3A_0, %arg0 : i32
    %mul3A_1 = arith.constant 632 : i32
    %mul3A_2 = arith.muli %arg1, %mul3A_1 : i32
    %lt3A = arith.constant 15 : i32
    %lt3A_3 = arith.cmpi slt, %arg1, %lt3A : i32
    %convert_element_type3A = arith.extui %lt3A_3 : i1 to i32
    %cond3A = arith.constant 0 : i32
    %cond3A_4 = arith.cmpi ne, %convert_element_type3A, %cond3A : i32
    scf.if %cond3A_4 {
      "tpu.region"() ({
        %run_scoped3A = tpu.sem_alloc : memref<!tpu.dma_semaphore, #tpu.memory_space<semaphore_mem>>
        %dma_start3A = arith.constant 0 : i32
        %dma_start3A_15 = tpu.memref_slice %arg10[%mul3A_2, %dma_start3A] : memref<10112x128xf32, #tpu.memory_space<vmem_shared>> -> memref<632x128xf32, #tpu.memory_space<vmem_shared>>
        %dma_start3A_16 = arith.constant 0 : i32
        %dma_start3A_17 = tpu.memref_slice %arg2[%mul3A_2, %dma_start3A_16] : memref<10000x128xf32, #tpu.memory_space<hbm>> -> memref<632x128xf32, #tpu.memory_space<hbm>>
        tpu.enqueue_dma source(%dma_start3A_17 : memref<632x128xf32, #tpu.memory_space<hbm>>) target(%dma_start3A_15 : memref<632x128xf32, #tpu.memory_space<vmem_shared>>) target_semaphore(%run_scoped3A : memref<!tpu.dma_semaphore, #tpu.memory_space<semaphore_mem>>)
        %dma_wait3A = arith.constant 0 : i32
        %dma_wait3A_18 = tpu.memref_slice %arg10[%mul3A_2, %dma_wait3A] : memref<10112x128xf32, #tpu.memory_space<vmem_shared>> -> memref<632x128xf32, #tpu.memory_space<vmem_shared>>
        %dma_wait3A_19 = arith.constant 0 : i32
        %dma_wait3A_20 = tpu.memref_slice %arg2[%mul3A_2, %dma_wait3A_19] : memref<10000x128xf32, #tpu.memory_space<hbm>> -> memref<632x128xf32, #tpu.memory_space<hbm>>
        tpu.wait_dma2 semaphore(%run_scoped3A : memref<!tpu.dma_semaphore, #tpu.memory_space<semaphore_mem>>) src(%dma_wait3A_20 : memref<632x128xf32, #tpu.memory_space<hbm>>) dst(%dma_wait3A_18 : memref<632x128xf32, #tpu.memory_space<vmem_shared>>)
        tpu.yield
      }) : () -> ()
    } else {
    }
    %eq3A = arith.constant 15 : i32
    %eq3A_5 = arith.cmpi eq, %arg1, %eq3A : i32
    %convert_element_type3A_6 = arith.extui %eq3A_5 : i1 to i32
    %cond3A_7 = arith.constant 0 : i32
    %cond3A_8 = arith.cmpi ne, %convert_element_type3A_6, %cond3A_7 : i32
    scf.if %cond3A_8 {
      "tpu.region"() ({
        %run_scoped3A = tpu.sem_alloc : memref<!tpu.dma_semaphore, #tpu.memory_space<semaphore_mem>>
        %dma_start3A = arith.constant 9480 : i32
        %dma_start3A_15 = arith.constant 0 : i32
        %dma_start3A_16 = tpu.memref_slice %arg10[%dma_start3A, %dma_start3A_15] : memref<10112x128xf32, #tpu.memory_space<vmem_shared>> -> memref<520x128xf32, #tpu.memory_space<vmem_shared>>
        %dma_start3A_17 = arith.constant 9480 : i32
        %dma_start3A_18 = arith.constant 0 : i32
        %dma_start3A_19 = tpu.memref_slice %arg2[%dma_start3A_17, %dma_start3A_18] : memref<10000x128xf32, #tpu.memory_space<hbm>> -> memref<520x128xf32, #tpu.memory_space<hbm>>
        tpu.enqueue_dma source(%dma_start3A_19 : memref<520x128xf32, #tpu.memory_space<hbm>>) target(%dma_start3A_16 : memref<520x128xf32, #tpu.memory_space<vmem_shared>>) target_semaphore(%run_scoped3A : memref<!tpu.dma_semaphore, #tpu.memory_space<semaphore_mem>>)
        %dma_wait3A = arith.constant 9480 : i32
        %dma_wait3A_20 = arith.constant 0 : i32
        %dma_wait3A_21 = tpu.memref_slice %arg10[%dma_wait3A, %dma_wait3A_20] : memref<10112x128xf32, #tpu.memory_space<vmem_shared>> -> memref<520x128xf32, #tpu.memory_space<vmem_shared>>
        %dma_wait3A_22 = arith.constant 9480 : i32
        %dma_wait3A_23 = arith.constant 0 : i32
        %dma_wait3A_24 = tpu.memref_slice %arg2[%dma_wait3A_22, %dma_wait3A_23] : memref<10000x128xf32, #tpu.memory_space<hbm>> -> memref<520x128xf32, #tpu.memory_space<hbm>>
        tpu.wait_dma2 semaphore(%run_scoped3A : memref<!tpu.dma_semaphore, #tpu.memory_space<semaphore_mem>>) src(%dma_wait3A_24 : memref<520x128xf32, #tpu.memory_space<hbm>>) dst(%dma_wait3A_21 : memref<520x128xf32, #tpu.memory_space<vmem_shared>>)
        tpu.yield
      }) : () -> ()
    } else {
    }
    %barrier3A = arith.constant 0 : index
    tpu.barrier barrier_id(%barrier3A)
    %scan3A = arith.constant 0 : i32
    %scan3A_9 = arith.constant 0 : i32
    %scan3A_10 = arith.constant 5 : i32
    %scan3A_11 = arith.addi %scan3A_9, %scan3A_10 : i32
    %scan3A_12 = arith.constant 1 : i32
    scf.for %scan3A_15 = %scan3A_9 to %scan3A_11 step %scan3A_12  : i32 {
      %mul3A_16 = arith.constant 16 : i32
      %mul3A_17 = arith.muli %scan3A_15, %mul3A_16 : i32
      "tpu.region"() ({
        %run_scoped3A = tpu.sem_alloc : memref<!tpu.dma_semaphore, #tpu.memory_space<semaphore_mem>>
        %dma_start3A_32 = arith.constant 0 : i32
        %dma_start3A_33 = tpu.memref_slice %arg3[%add3A, %mul3A_17, %dma_start3A_32] : memref<32x80x128xi32, #tpu.memory_space<hbm>> -> memref<1x16x128xi32, #tpu.memory_space<hbm>>
        %dma_start3A_34 = tpu.memref_squeeze %dma_start3A_33 : memref<1x16x128xi32, #tpu.memory_space<hbm>> -> memref<16x128xi32, #tpu.memory_space<hbm>>
        %dma_start3A_35 = arith.constant 0 : i32
        %dma_start3A_36 = tpu.memref_slice %arg3[%add3A, %mul3A_17, %dma_start3A_35] : memref<32x80x128xi32, #tpu.memory_space<hbm>> -> memref<1x16x128xi32, #tpu.memory_space<hbm>>
        %dma_start3A_37 = tpu.memref_squeeze %dma_start3A_36 : memref<1x16x128xi32, #tpu.memory_space<hbm>> -> memref<16x128xi32, #tpu.memory_space<hbm>>
        tpu.enqueue_dma source(%dma_start3A_37 : memref<16x128xi32, #tpu.memory_space<hbm>>) target(%arg6 : memref<16x128xi32, #tpu.memory_space<vmem>>) target_semaphore(%run_scoped3A : memref<!tpu.dma_semaphore, #tpu.memory_space<semaphore_mem>>)
        %dma_wait3A = arith.constant 0 : i32
        %dma_wait3A_38 = tpu.memref_slice %arg3[%add3A, %mul3A_17, %dma_wait3A] : memref<32x80x128xi32, #tpu.memory_space<hbm>> -> memref<1x16x128xi32, #tpu.memory_space<hbm>>
        %dma_wait3A_39 = tpu.memref_squeeze %dma_wait3A_38 : memref<1x16x128xi32, #tpu.memory_space<hbm>> -> memref<16x128xi32, #tpu.memory_space<hbm>>
        %dma_wait3A_40 = arith.constant 0 : i32
        %dma_wait3A_41 = tpu.memref_slice %arg3[%add3A, %mul3A_17, %dma_wait3A_40] : memref<32x80x128xi32, #tpu.memory_space<hbm>> -> memref<1x16x128xi32, #tpu.memory_space<hbm>>
        %dma_wait3A_42 = tpu.memref_squeeze %dma_wait3A_41 : memref<1x16x128xi32, #tpu.memory_space<hbm>> -> memref<16x128xi32, #tpu.memory_space<hbm>>
        tpu.wait_dma2 semaphore(%run_scoped3A : memref<!tpu.dma_semaphore, #tpu.memory_space<semaphore_mem>>) src(%dma_wait3A_42 : memref<16x128xi32, #tpu.memory_space<hbm>>) dst(%arg6 : memref<16x128xi32, #tpu.memory_space<vmem>>)
        tpu.yield
      }) : () -> ()
      %mul3A_18 = arith.constant 16 : i32
      %mul3A_19 = arith.muli %scan3A_15, %mul3A_18 : i32
      "tpu.region"() ({
        %run_scoped3A = tpu.sem_alloc : memref<!tpu.dma_semaphore, #tpu.memory_space<semaphore_mem>>
        %dma_start3A_32 = arith.constant 0 : i32
        %dma_start3A_33 = tpu.memref_slice %arg4[%add3A, %mul3A_19, %dma_start3A_32] : memref<32x80x128xi32, #tpu.memory_space<hbm>> -> memref<1x16x128xi32, #tpu.memory_space<hbm>>
        %dma_start3A_34 = tpu.memref_squeeze %dma_start3A_33 : memref<1x16x128xi32, #tpu.memory_space<hbm>> -> memref<16x128xi32, #tpu.memory_space<hbm>>
        %dma_start3A_35 = arith.constant 0 : i32
        %dma_start3A_36 = tpu.memref_slice %arg4[%add3A, %mul3A_19, %dma_start3A_35] : memref<32x80x128xi32, #tpu.memory_space<hbm>> -> memref<1x16x128xi32, #tpu.memory_space<hbm>>
        %dma_start3A_37 = tpu.memref_squeeze %dma_start3A_36 : memref<1x16x128xi32, #tpu.memory_space<hbm>> -> memref<16x128xi32, #tpu.memory_space<hbm>>
        tpu.enqueue_dma source(%dma_start3A_37 : memref<16x128xi32, #tpu.memory_space<hbm>>) target(%arg7 : memref<16x128xi32, #tpu.memory_space<vmem>>) target_semaphore(%run_scoped3A : memref<!tpu.dma_semaphore, #tpu.memory_space<semaphore_mem>>)
        %dma_wait3A = arith.constant 0 : i32
        %dma_wait3A_38 = tpu.memref_slice %arg4[%add3A, %mul3A_19, %dma_wait3A] : memref<32x80x128xi32, #tpu.memory_space<hbm>> -> memref<1x16x128xi32, #tpu.memory_space<hbm>>
        %dma_wait3A_39 = tpu.memref_squeeze %dma_wait3A_38 : memref<1x16x128xi32, #tpu.memory_space<hbm>> -> memref<16x128xi32, #tpu.memory_space<hbm>>
        %dma_wait3A_40 = arith.constant 0 : i32
        %dma_wait3A_41 = tpu.memref_slice %arg4[%add3A, %mul3A_19, %dma_wait3A_40] : memref<32x80x128xi32, #tpu.memory_space<hbm>> -> memref<1x16x128xi32, #tpu.memory_space<hbm>>
        %dma_wait3A_42 = tpu.memref_squeeze %dma_wait3A_41 : memref<1x16x128xi32, #tpu.memory_space<hbm>> -> memref<16x128xi32, #tpu.memory_space<hbm>>
        tpu.wait_dma2 semaphore(%run_scoped3A : memref<!tpu.dma_semaphore, #tpu.memory_space<semaphore_mem>>) src(%dma_wait3A_42 : memref<16x128xi32, #tpu.memory_space<hbm>>) dst(%arg7 : memref<16x128xi32, #tpu.memory_space<vmem>>)
        tpu.yield
      }) : () -> ()
      %dma_start3A = arith.constant 0 : i32
      %dma_start3A_20 = arith.constant 0 : i32
      %dma_start3A_21 = tpu.memref_slice %arg6[%dma_start3A, %dma_start3A_20] : memref<16x128xi32, #tpu.memory_space<vmem>> -> memref<1x128xi32, #tpu.memory_space<vmem>>
      %dma_start3A_22 = tpu.memref_squeeze %dma_start3A_21 : memref<1x128xi32, #tpu.memory_space<vmem>> -> memref<128xi32, #tpu.memory_space<vmem>>
      %dma_start3A_23 = arith.constant 0 : i32
      %dma_start3A_24 = arith.constant 0 : i32
      %dma_start3A_25 = tpu.memref_slice %arg2[%dma_start3A_23, %dma_start3A_24] : memref<10000x128xf32, #tpu.memory_space<hbm>> -> memref<10000x128xf32, #tpu.memory_space<hbm>>
      tpu.enqueue_indirect_dma source(%dma_start3A_25 : memref<10000x128xf32, #tpu.memory_space<hbm>>) target(%arg8 : memref<128x128xf32, #tpu.memory_space<vmem>>) offsets(%dma_start3A_22 : memref<128xi32, #tpu.memory_space<vmem>>) semaphore(%arg11 : memref<!tpu.dma_semaphore, #tpu.memory_space<semaphore_mem>>)
      %scan3A_26 = arith.constant 0 : i32
      %scan3A_27 = arith.constant 0 : i32
      %scan3A_28 = arith.constant 8 : i32
      %scan3A_29 = arith.addi %scan3A_27, %scan3A_28 : i32
      %scan3A_30 = arith.constant 1 : i32
      scf.for %scan3A_32 = %scan3A_27 to %scan3A_29 step %scan3A_30  : i32 {
        %mul3A_33 = arith.constant 2 : i32
        %mul3A_34 = arith.muli %mul3A_33, %scan3A_32 : i32
        %add3A_35 = arith.constant 1 : i32
        %add3A_36 = arith.addi %mul3A_34, %add3A_35 : i32
        %dma_start3A_37 = arith.constant 0 : i32
        %dma_start3A_38 = tpu.memref_slice %arg6[%add3A_36, %dma_start3A_37] : memref<16x128xi32, #tpu.memory_space<vmem>> -> memref<1x128xi32, #tpu.memory_space<vmem>>
        %dma_start3A_39 = tpu.memref_squeeze %dma_start3A_38 : memref<1x128xi32, #tpu.memory_space<vmem>> -> memref<128xi32, #tpu.memory_space<vmem>>
        %dma_start3A_40 = arith.constant 0 : i32
        %dma_start3A_41 = arith.constant 0 : i32
        %dma_start3A_42 = tpu.memref_slice %arg2[%dma_start3A_40, %dma_start3A_41] : memref<10000x128xf32, #tpu.memory_space<hbm>> -> memref<10000x128xf32, #tpu.memory_space<hbm>>
        tpu.enqueue_indirect_dma source(%dma_start3A_42 : memref<10000x128xf32, #tpu.memory_space<hbm>>) target(%arg9 : memref<128x128xf32, #tpu.memory_space<vmem>>) offsets(%dma_start3A_39 : memref<128xi32, #tpu.memory_space<vmem>>) semaphore(%arg12 : memref<!tpu.dma_semaphore, #tpu.memory_space<semaphore_mem>>)
        %dma_wait3A = arith.constant 0 : i32
        %dma_wait3A_43 = tpu.memref_slice %arg6[%mul3A_34, %dma_wait3A] : memref<16x128xi32, #tpu.memory_space<vmem>> -> memref<1x128xi32, #tpu.memory_space<vmem>>
        %dma_wait3A_44 = tpu.memref_squeeze %dma_wait3A_43 : memref<1x128xi32, #tpu.memory_space<vmem>> -> memref<128xi32, #tpu.memory_space<vmem>>
        %dma_wait3A_45 = arith.constant 0 : i32
        %dma_wait3A_46 = arith.constant 0 : i32
        %dma_wait3A_47 = tpu.memref_slice %arg2[%dma_wait3A_45, %dma_wait3A_46] : memref<10000x128xf32, #tpu.memory_space<hbm>> -> memref<10000x128xf32, #tpu.memory_space<hbm>>
        tpu.wait_indirect_dma semaphore(%arg11 : memref<!tpu.dma_semaphore, #tpu.memory_space<semaphore_mem>>) src(%dma_wait3A_47 : memref<10000x128xf32, #tpu.memory_space<hbm>>) dst(%arg8 : memref<128x128xf32, #tpu.memory_space<vmem>>)
        "tpu.region"() ({
          %run_scoped3A = tpu.sem_alloc : memref<!tpu.dma_semaphore, #tpu.memory_space<semaphore_mem>>
          %dma_start3A_63 = arith.constant 0 : i32
          %dma_start3A_64 = tpu.memref_slice %arg7[%mul3A_34, %dma_start3A_63] : memref<16x128xi32, #tpu.memory_space<vmem>> -> memref<1x128xi32, #tpu.memory_space<vmem>>
          %dma_start3A_65 = tpu.memref_squeeze %dma_start3A_64 : memref<1x128xi32, #tpu.memory_space<vmem>> -> memref<128xi32, #tpu.memory_space<vmem>>
          %dma_start3A_66 = arith.constant 0 : i32
          %dma_start3A_67 = arith.constant 0 : i32
          %dma_start3A_68 = tpu.memref_slice %arg10[%dma_start3A_66, %dma_start3A_67] : memref<10112x128xf32, #tpu.memory_space<vmem_shared>> -> memref<10112x128xf32, #tpu.memory_space<vmem_shared>>
          tpu.enqueue_indirect_dma source(%arg8 : memref<128x128xf32, #tpu.memory_space<vmem>>) target(%dma_start3A_68 : memref<10112x128xf32, #tpu.memory_space<vmem_shared>>) offsets(%dma_start3A_65 : memref<128xi32, #tpu.memory_space<vmem>>) semaphore(%run_scoped3A : memref<!tpu.dma_semaphore, #tpu.memory_space<semaphore_mem>>) {add = true}
          %dma_wait3A_69 = arith.constant 0 : i32
          %dma_wait3A_70 = tpu.memref_slice %arg7[%mul3A_34, %dma_wait3A_69] : memref<16x128xi32, #tpu.memory_space<vmem>> -> memref<1x128xi32, #tpu.memory_space<vmem>>
          %dma_wait3A_71 = tpu.memref_squeeze %dma_wait3A_70 : memref<1x128xi32, #tpu.memory_space<vmem>> -> memref<128xi32, #tpu.memory_space<vmem>>
          %dma_wait3A_72 = arith.constant 0 : i32
          %dma_wait3A_73 = arith.constant 0 : i32
          %dma_wait3A_74 = tpu.memref_slice %arg10[%dma_wait3A_72, %dma_wait3A_73] : memref<10112x128xf32, #tpu.memory_space<vmem_shared>> -> memref<10112x128xf32, #tpu.memory_space<vmem_shared>>
          tpu.wait_indirect_dma semaphore(%run_scoped3A : memref<!tpu.dma_semaphore, #tpu.memory_space<semaphore_mem>>) src(%arg8 : memref<128x128xf32, #tpu.memory_space<vmem>>) dst(%dma_wait3A_74 : memref<10112x128xf32, #tpu.memory_space<vmem_shared>>)
          tpu.yield
        }) : () -> ()
        %lt3A_48 = arith.constant 7 : i32
        %lt3A_49 = arith.cmpi slt, %scan3A_32, %lt3A_48 : i32
        %convert_element_type3A_50 = arith.extui %lt3A_49 : i1 to i32
        %cond3A_51 = arith.constant 0 : i32
        %cond3A_52 = arith.cmpi ne, %convert_element_type3A_50, %cond3A_51 : i32
        scf.if %cond3A_52 {
          %add3A_63 = arith.constant 2 : i32
          %add3A_64 = arith.addi %mul3A_34, %add3A_63 : i32
          %dma_start3A_65 = arith.constant 0 : i32
          %dma_start3A_66 = tpu.memref_slice %arg6[%add3A_64, %dma_start3A_65] : memref<16x128xi32, #tpu.memory_space<vmem>> -> memref<1x128xi32, #tpu.memory_space<vmem>>
          %dma_start3A_67 = tpu.memref_squeeze %dma_start3A_66 : memref<1x128xi32, #tpu.memory_space<vmem>> -> memref<128xi32, #tpu.memory_space<vmem>>
          %dma_start3A_68 = arith.constant 0 : i32
          %dma_start3A_69 = arith.constant 0 : i32
          %dma_start3A_70 = tpu.memref_slice %arg2[%dma_start3A_68, %dma_start3A_69] : memref<10000x128xf32, #tpu.memory_space<hbm>> -> memref<10000x128xf32, #tpu.memory_space<hbm>>
          tpu.enqueue_indirect_dma source(%dma_start3A_70 : memref<10000x128xf32, #tpu.memory_space<hbm>>) target(%arg8 : memref<128x128xf32, #tpu.memory_space<vmem>>) offsets(%dma_start3A_67 : memref<128xi32, #tpu.memory_space<vmem>>) semaphore(%arg11 : memref<!tpu.dma_semaphore, #tpu.memory_space<semaphore_mem>>)
        } else {
        }
        %add3A_53 = arith.constant 1 : i32
        %add3A_54 = arith.addi %mul3A_34, %add3A_53 : i32
        %dma_wait3A_55 = arith.constant 0 : i32
        %dma_wait3A_56 = tpu.memref_slice %arg6[%add3A_54, %dma_wait3A_55] : memref<16x128xi32, #tpu.memory_space<vmem>> -> memref<1x128xi32, #tpu.memory_space<vmem>>
        %dma_wait3A_57 = tpu.memref_squeeze %dma_wait3A_56 : memref<1x128xi32, #tpu.memory_space<vmem>> -> memref<128xi32, #tpu.memory_space<vmem>>
        %dma_wait3A_58 = arith.constant 0 : i32
        %dma_wait3A_59 = arith.constant 0 : i32
        %dma_wait3A_60 = tpu.memref_slice %arg2[%dma_wait3A_58, %dma_wait3A_59] : memref<10000x128xf32, #tpu.memory_space<hbm>> -> memref<10000x128xf32, #tpu.memory_space<hbm>>
        tpu.wait_indirect_dma semaphore(%arg12 : memref<!tpu.dma_semaphore, #tpu.memory_space<semaphore_mem>>) src(%dma_wait3A_60 : memref<10000x128xf32, #tpu.memory_space<hbm>>) dst(%arg9 : memref<128x128xf32, #tpu.memory_space<vmem>>)
        %add3A_61 = arith.constant 1 : i32
        %add3A_62 = arith.addi %mul3A_34, %add3A_61 : i32
        "tpu.region"() ({
          %run_scoped3A = tpu.sem_alloc : memref<!tpu.dma_semaphore, #tpu.memory_space<semaphore_mem>>
          %dma_start3A_63 = arith.constant 0 : i32
          %dma_start3A_64 = tpu.memref_slice %arg7[%add3A_62, %dma_start3A_63] : memref<16x128xi32, #tpu.memory_space<vmem>> -> memref<1x128xi32, #tpu.memory_space<vmem>>
          %dma_start3A_65 = tpu.memref_squeeze %dma_start3A_64 : memref<1x128xi32, #tpu.memory_space<vmem>> -> memref<128xi32, #tpu.memory_space<vmem>>
          %dma_start3A_66 = arith.constant 0 : i32
          %dma_start3A_67 = arith.constant 0 : i32
          %dma_start3A_68 = tpu.memref_slice %arg10[%dma_start3A_66, %dma_start3A_67] : memref<10112x128xf32, #tpu.memory_space<vmem_shared>> -> memref<10112x128xf32, #tpu.memory_space<vmem_shared>>
          tpu.enqueue_indirect_dma source(%arg9 : memref<128x128xf32, #tpu.memory_space<vmem>>) target(%dma_start3A_68 : memref<10112x128xf32, #tpu.memory_space<vmem_shared>>) offsets(%dma_start3A_65 : memref<128xi32, #tpu.memory_space<vmem>>) semaphore(%run_scoped3A : memref<!tpu.dma_semaphore, #tpu.memory_space<semaphore_mem>>) {add = true}
          %dma_wait3A_69 = arith.constant 0 : i32
          %dma_wait3A_70 = tpu.memref_slice %arg7[%add3A_62, %dma_wait3A_69] : memref<16x128xi32, #tpu.memory_space<vmem>> -> memref<1x128xi32, #tpu.memory_space<vmem>>
          %dma_wait3A_71 = tpu.memref_squeeze %dma_wait3A_70 : memref<1x128xi32, #tpu.memory_space<vmem>> -> memref<128xi32, #tpu.memory_space<vmem>>
          %dma_wait3A_72 = arith.constant 0 : i32
          %dma_wait3A_73 = arith.constant 0 : i32
          %dma_wait3A_74 = tpu.memref_slice %arg10[%dma_wait3A_72, %dma_wait3A_73] : memref<10112x128xf32, #tpu.memory_space<vmem_shared>> -> memref<10112x128xf32, #tpu.memory_space<vmem_shared>>
          tpu.wait_indirect_dma semaphore(%run_scoped3A : memref<!tpu.dma_semaphore, #tpu.memory_space<semaphore_mem>>) src(%arg9 : memref<128x128xf32, #tpu.memory_space<vmem>>) dst(%dma_wait3A_74 : memref<10112x128xf32, #tpu.memory_space<vmem_shared>>)
          tpu.yield
        }) : () -> ()
      }
      %scan3A_31 = arith.constant 8 : i32
    }
    %scan3A_13 = arith.constant 5 : i32
    %barrier3A_14 = arith.constant 0 : index
    tpu.barrier barrier_id(%barrier3A_14)
    "tpu.region"() ({
      %run_scoped3A = tpu.sem_alloc : memref<!tpu.dma_semaphore, #tpu.memory_space<semaphore_mem>>
      %dma_start3A = arith.constant 0 : i32
      %dma_start3A_15 = tpu.memref_slice %arg5[%arg0, %mul3A_2, %dma_start3A] : memref<2x10112x128xf32, #tpu.memory_space<hbm>> -> memref<1x632x128xf32, #tpu.memory_space<hbm>>
      %dma_start3A_16 = tpu.memref_squeeze %dma_start3A_15 : memref<1x632x128xf32, #tpu.memory_space<hbm>> -> memref<632x128xf32, #tpu.memory_space<hbm>>
      %dma_start3A_17 = arith.constant 0 : i32
      %dma_start3A_18 = tpu.memref_slice %arg10[%mul3A_2, %dma_start3A_17] : memref<10112x128xf32, #tpu.memory_space<vmem_shared>> -> memref<632x128xf32, #tpu.memory_space<vmem_shared>>
      tpu.enqueue_dma source(%dma_start3A_18 : memref<632x128xf32, #tpu.memory_space<vmem_shared>>) target(%dma_start3A_16 : memref<632x128xf32, #tpu.memory_space<hbm>>) target_semaphore(%run_scoped3A : memref<!tpu.dma_semaphore, #tpu.memory_space<semaphore_mem>>)
      %dma_wait3A = arith.constant 0 : i32
      %dma_wait3A_19 = tpu.memref_slice %arg5[%arg0, %mul3A_2, %dma_wait3A] : memref<2x10112x128xf32, #tpu.memory_space<hbm>> -> memref<1x632x128xf32, #tpu.memory_space<hbm>>
      %dma_wait3A_20 = tpu.memref_squeeze %dma_wait3A_19 : memref<1x632x128xf32, #tpu.memory_space<hbm>> -> memref<632x128xf32, #tpu.memory_space<hbm>>
      %dma_wait3A_21 = arith.constant 0 : i32
      %dma_wait3A_22 = tpu.memref_slice %arg10[%mul3A_2, %dma_wait3A_21] : memref<10112x128xf32, #tpu.memory_space<vmem_shared>> -> memref<632x128xf32, #tpu.memory_space<vmem_shared>>
      tpu.wait_dma2 semaphore(%run_scoped3A : memref<!tpu.dma_semaphore, #tpu.memory_space<semaphore_mem>>) src(%dma_wait3A_22 : memref<632x128xf32, #tpu.memory_space<vmem_shared>>) dst(%dma_wait3A_20 : memref<632x128xf32, #tpu.memory_space<hbm>>)
      tpu.yield
    }) : () -> ()
    return
  }
}

module attributes {stable_mosaic.version = 14 : i64} {
  func.func @_z_body(%arg0: i32, %arg1: memref<2x1000x128xf32, #tpu.memory_space<vmem>>, %arg2: memref<1000x128xf32, #tpu.memory_space<vmem>>, %arg3: memref<1000x128xf32, #tpu.memory_space<vmem>>) attributes {dimension_semantics = [#tpu.dimension_semantics<arbitrary>], iteration_bounds = array<i64: 10>, scalar_prefetch = 0 : i64, scratch_operands = 0 : i64, tpu.core_type = #tpu.core_type<tc>, window_params = [{transform_indices = @transform_0, window_bounds = array<i64: 2, 1000, 128>}, {transform_indices = @transform_1, window_bounds = array<i64: 1000, 128>}, {transform_indices = @transform_2, window_bounds = array<i64: 1000, 128>}]} {
    %get3A = arith.constant 0 : index
    %get3A_0 = arith.constant 0 : index
    %get3A_1 = vector.load %arg2[%get3A, %get3A_0] : memref<1000x128xf32, #tpu.memory_space<vmem>>, vector<1000x128xf32>
    %get3A_2 = arith.constant 0 : index
    %get3A_3 = arith.constant 0 : index
    %get3A_4 = arith.constant 0 : index
    %get3A_5 = vector.load %arg1[%get3A_2, %get3A_3, %get3A_4] : memref<2x1000x128xf32, #tpu.memory_space<vmem>>, vector<1x1000x128xf32>
    %get3A_6 = vector.shape_cast %get3A_5 : vector<1x1000x128xf32> to vector<1000x128xf32>
    %slice3A = vector.extract_strided_slice %get3A_6 {offsets = [0, 0], sizes = [1000, 1], strides = [1, 1]} : vector<1000x128xf32> to vector<1000x1xf32>
    %get3A_7 = arith.constant 1 : index
    %get3A_8 = arith.constant 0 : index
    %get3A_9 = arith.constant 0 : index
    %get3A_10 = vector.load %arg1[%get3A_7, %get3A_8, %get3A_9] : memref<2x1000x128xf32, #tpu.memory_space<vmem>>, vector<1x1000x128xf32>
    %get3A_11 = vector.shape_cast %get3A_10 : vector<1x1000x128xf32> to vector<1000x128xf32>
    %slice3A_12 = vector.extract_strided_slice %get3A_11 {offsets = [0, 0], sizes = [1000, 1], strides = [1, 1]} : vector<1000x128xf32> to vector<1000x1xf32>
    %add3A = arith.addf %slice3A, %slice3A_12 : vector<1000x1xf32>
    %add3A_13 = arith.constant 1.000000e+00 : f32
    %add3A_14 = vector.broadcast %add3A_13 : f32 to vector<1000x1xf32>
    %add3A_15 = arith.addf %add3A, %add3A_14 : vector<1000x1xf32>
    %rsqrt3A = math.rsqrt %add3A_15 : vector<1000x1xf32>
    %mul3A = vector.broadcast %rsqrt3A : vector<1000x1xf32> to vector<1000x128xf32>
    %mul3A_16 = arith.mulf %get3A_1, %mul3A : vector<1000x128xf32>
    %swap3A = arith.constant 0 : index
    %swap3A_17 = arith.constant 0 : index
    %swap3A_18 = vector.load %arg3[%swap3A, %swap3A_17] : memref<1000x128xf32, #tpu.memory_space<vmem>>, vector<1000x128xf32>
    tpu.vector_store %arg3[%swap3A, %swap3A_17], %mul3A_16 {strides = array<i32>} : memref<1000x128xf32, #tpu.memory_space<vmem>>, vector<1000x128xf32>,
    return
  }
  func.func @transform_0(%arg0: i32) -> (i32, i32, i32) {
    %c0_i32 = arith.constant 0 : i32
    %c0_i32_0 = arith.constant 0 : i32
    %c0_i32_1 = arith.constant 0 : i32
    return %c0_i32, %arg0, %c0_i32_0 : i32, i32, i32
  }
  func.func @transform_1(%arg0: i32) -> (i32, i32) {
    %c0_i32 = arith.constant 0 : i32
    %c0_i32_0 = arith.constant 0 : i32
    return %arg0, %c0_i32 : i32, i32
  }
  func.func @transform_2(%arg0: i32) -> (i32, i32) {
    %c0_i32 = arith.constant 0 : i32
    %c0_i32_0 = arith.constant 0 : i32
    return %arg0, %c0_i32 : i32, i32
  }
}

module attributes {stable_mosaic.version = 14 : i64} {
  func.func @_tail_body(%arg0: i32, %arg1: memref<2x1000x128xf32, #tpu.memory_space<vmem>>, %arg2: memref<1000x128xf32, #tpu.memory_space<vmem>>, %arg3: memref<2x1000x128xf32, #tpu.memory_space<vmem>>, %arg4: memref<1x1x1000xi32, #tpu.memory_space<vmem>>, %arg5: memref<128x128xf32, #tpu.memory_space<vmem>>, %arg6: memref<1x128xf32, #tpu.memory_space<vmem>>, %arg7: memref<128x128xf32, #tpu.memory_space<vmem>>, %arg8: memref<1x128xf32, #tpu.memory_space<vmem>>, %arg9: memref<512x128xf32, #tpu.memory_space<vmem>>, %arg10: memref<1x128xf32, #tpu.memory_space<vmem>>, %arg11: memref<128x128xf32, #tpu.memory_space<vmem>>, %arg12: memref<1x128xf32, #tpu.memory_space<vmem>>, %arg13: memref<128x2xf32, #tpu.memory_space<vmem>>, %arg14: memref<1x2xf32, #tpu.memory_space<vmem>>, %arg15: memref<64x2xf32, #tpu.memory_space<vmem>>, %arg16: memref<64x128xf32, #tpu.memory_space<vmem>>, %arg17: memref<64x128xf32, #tpu.memory_space<vmem>>, %arg18: memref<64x128xf32, #tpu.memory_space<vmem>>, %arg19: memref<64x128xf32, #tpu.memory_space<vmem>>) attributes {dimension_semantics = [#tpu.dimension_semantics<arbitrary>], iteration_bounds = array<i64: 10>, scalar_prefetch = 0 : i64, scratch_operands = 4 : i64, tpu.core_type = #tpu.core_type<tc>, window_params = [{transform_indices = @transform_0, window_bounds = array<i64: 2, 1000, 128>}, {transform_indices = @transform_1, window_bounds = array<i64: 1000, 128>}, {transform_indices = @transform_2, window_bounds = array<i64: 2, 1000, 128>}, {transform_indices = @transform_3, window_bounds = array<i64: 1, 1, 1000>}, {pipeline_mode = #tpu.pipeline_mode<synchronous>, transform_indices = @transform_4, window_bounds = array<i64: 128, 128>}, {pipeline_mode = #tpu.pipeline_mode<synchronous>, transform_indices = @transform_5, window_bounds = array<i64: 1, 128>}, {pipeline_mode = #tpu.pipeline_mode<synchronous>, transform_indices = @transform_6, window_bounds = array<i64: 128, 128>}, {pipeline_mode = #tpu.pipeline_mode<synchronous>, transform_indices = @transform_7, window_bounds = array<i64: 1, 128>}, {pipeline_mode = #tpu.pipeline_mode<synchronous>, transform_indices = @transform_8, window_bounds = array<i64: 512, 128>}, {pipeline_mode = #tpu.pipeline_mode<synchronous>, transform_indices = @transform_9, window_bounds = array<i64: 1, 128>}, {pipeline_mode = #tpu.pipeline_mode<synchronous>, transform_indices = @transform_10, window_bounds = array<i64: 128, 128>}, {pipeline_mode = #tpu.pipeline_mode<synchronous>, transform_indices = @transform_11, window_bounds = array<i64: 1, 128>}, {pipeline_mode = #tpu.pipeline_mode<synchronous>, transform_indices = @transform_12, window_bounds = array<i64: 128, 2>}, {pipeline_mode = #tpu.pipeline_mode<synchronous>, transform_indices = @transform_13, window_bounds = array<i64: 1, 2>}, {pipeline_mode = #tpu.pipeline_mode<synchronous>, transform_indices = @transform_14, window_bounds = array<i64: 64, 2>}]} {
    %eq3A = arith.constant 0 : i32
    %eq3A_0 = arith.cmpi eq, %arg0, %eq3A : i32
    %convert_element_type3A = arith.extui %eq3A_0 : i1 to i32
    %cond3A = arith.constant 0 : i32
    %cond3A_1 = arith.cmpi ne, %convert_element_type3A, %cond3A : i32
    scf.if %cond3A_1 {
      %broadcast_in_dim3A_101 = arith.constant 0.000000e+00 : f32
      %broadcast_in_dim3A_102 = vector.broadcast %broadcast_in_dim3A_101 : f32 to vector<64x128xf32>
      %swap3A_103 = arith.constant 0 : index
      %swap3A_104 = arith.constant 0 : index
      %swap3A_105 = vector.load %arg16[%swap3A_103, %swap3A_104] : memref<64x128xf32, #tpu.memory_space<vmem>>, vector<64x128xf32>
      tpu.vector_store %arg16[%swap3A_103, %swap3A_104], %broadcast_in_dim3A_102 {strides = array<i32>} : memref<64x128xf32, #tpu.memory_space<vmem>>, vector<64x128xf32>,
      %broadcast_in_dim3A_106 = arith.constant 0.000000e+00 : f32
      %broadcast_in_dim3A_107 = vector.broadcast %broadcast_in_dim3A_106 : f32 to vector<64x128xf32>
      %swap3A_108 = arith.constant 0 : index
      %swap3A_109 = arith.constant 0 : index
      %swap3A_110 = vector.load %arg17[%swap3A_108, %swap3A_109] : memref<64x128xf32, #tpu.memory_space<vmem>>, vector<64x128xf32>
      tpu.vector_store %arg17[%swap3A_108, %swap3A_109], %broadcast_in_dim3A_107 {strides = array<i32>} : memref<64x128xf32, #tpu.memory_space<vmem>>, vector<64x128xf32>,
      %broadcast_in_dim3A_111 = arith.constant 0.000000e+00 : f32
      %broadcast_in_dim3A_112 = vector.broadcast %broadcast_in_dim3A_111 : f32 to vector<64x128xf32>
      %swap3A_113 = arith.constant 0 : index
      %swap3A_114 = arith.constant 0 : index
      %swap3A_115 = vector.load %arg18[%swap3A_113, %swap3A_114] : memref<64x128xf32, #tpu.memory_space<vmem>>, vector<64x128xf32>
      tpu.vector_store %arg18[%swap3A_113, %swap3A_114], %broadcast_in_dim3A_112 {strides = array<i32>} : memref<64x128xf32, #tpu.memory_space<vmem>>, vector<64x128xf32>,
      %broadcast_in_dim3A_116 = arith.constant 0.000000e+00 : f32
      %broadcast_in_dim3A_117 = vector.broadcast %broadcast_in_dim3A_116 : f32 to vector<64x128xf32>
      %swap3A_118 = arith.constant 0 : index
      %swap3A_119 = arith.constant 0 : index
      %swap3A_120 = vector.load %arg19[%swap3A_118, %swap3A_119] : memref<64x128xf32, #tpu.memory_space<vmem>>, vector<64x128xf32>
      tpu.vector_store %arg19[%swap3A_118, %swap3A_119], %broadcast_in_dim3A_117 {strides = array<i32>} : memref<64x128xf32, #tpu.memory_space<vmem>>, vector<64x128xf32>,
    } else {
    }
    %get3A = arith.constant 0 : index
    %get3A_2 = arith.constant 0 : index
    %get3A_3 = arith.constant 0 : index
    %get3A_4 = vector.load %arg3[%get3A, %get3A_2, %get3A_3] : memref<2x1000x128xf32, #tpu.memory_space<vmem>>, vector<1x1000x128xf32>
    %get3A_5 = vector.shape_cast %get3A_4 : vector<1x1000x128xf32> to vector<1000x128xf32>
    %slice3A = vector.extract_strided_slice %get3A_5 {offsets = [0, 0], sizes = [1000, 1], strides = [1, 1]} : vector<1000x128xf32> to vector<1000x1xf32>
    %get3A_6 = arith.constant 1 : index
    %get3A_7 = arith.constant 0 : index
    %get3A_8 = arith.constant 0 : index
    %get3A_9 = vector.load %arg3[%get3A_6, %get3A_7, %get3A_8] : memref<2x1000x128xf32, #tpu.memory_space<vmem>>, vector<1x1000x128xf32>
    %get3A_10 = vector.shape_cast %get3A_9 : vector<1x1000x128xf32> to vector<1000x128xf32>
    %slice3A_11 = vector.extract_strided_slice %get3A_10 {offsets = [0, 0], sizes = [1000, 1], strides = [1, 1]} : vector<1000x128xf32> to vector<1000x1xf32>
    %add3A = arith.addf %slice3A, %slice3A_11 : vector<1000x1xf32>
    %add3A_12 = arith.constant 1.000000e+00 : f32
    %add3A_13 = vector.broadcast %add3A_12 : f32 to vector<1000x1xf32>
    %add3A_14 = arith.addf %add3A, %add3A_13 : vector<1000x1xf32>
    %rsqrt3A = math.rsqrt %add3A_14 : vector<1000x1xf32>
    %get3A_15 = arith.constant 0 : index
    %get3A_16 = arith.constant 0 : index
    %get3A_17 = arith.constant 0 : index
    %get3A_18 = vector.load %arg1[%get3A_15, %get3A_16, %get3A_17] : memref<2x1000x128xf32, #tpu.memory_space<vmem>>, vector<1x1000x128xf32>
    %get3A_19 = vector.shape_cast %get3A_18 : vector<1x1000x128xf32> to vector<1000x128xf32>
    %get3A_20 = arith.constant 1 : index
    %get3A_21 = arith.constant 0 : index
    %get3A_22 = arith.constant 0 : index
    %get3A_23 = vector.load %arg1[%get3A_20, %get3A_21, %get3A_22] : memref<2x1000x128xf32, #tpu.memory_space<vmem>>, vector<1x1000x128xf32>
    %get3A_24 = vector.shape_cast %get3A_23 : vector<1x1000x128xf32> to vector<1000x128xf32>
    %add3A_25 = arith.addf %get3A_19, %get3A_24 : vector<1000x128xf32>
    %get3A_26 = arith.constant 0 : index
    %get3A_27 = arith.constant 0 : index
    %get3A_28 = vector.load %arg2[%get3A_26, %get3A_27] : memref<1000x128xf32, #tpu.memory_space<vmem>>, vector<1000x128xf32>
    %sub3A = arith.subf %add3A_25, %get3A_28 : vector<1000x128xf32>
    %mul3A = vector.broadcast %rsqrt3A : vector<1000x1xf32> to vector<1000x128xf32>
    %mul3A_29 = arith.mulf %sub3A, %mul3A : vector<1000x128xf32>
    %get3A_30 = arith.constant 0 : index
    %get3A_31 = arith.constant 0 : index
    %get3A_32 = vector.load %arg5[%get3A_30, %get3A_31] : memref<128x128xf32, #tpu.memory_space<vmem>>, vector<128x128xf32>
    %dot_general3A = arith.constant dense<0.000000e+00> : vector<1000x128xf32>
    %dot_general3A_33 = tpu.matmul %mul3A_29, %get3A_32, %dot_general3A {dimension_numbers = #tpu.dot_dimension_numbers<[1], [0], [0], [1], [0, 0, 1, 1], [], []>, transpose_lhs_hint = false} : vector<1000x128xf32>, vector<128x128xf32>, vector<1000x128xf32> -> vector<1000x128xf32>
    %get3A_34 = arith.constant 0 : index
    %get3A_35 = arith.constant 0 : index
    %get3A_36 = vector.load %arg6[%get3A_34, %get3A_35] : memref<1x128xf32, #tpu.memory_space<vmem>>, vector<1x128xf32>
    %add3A_37 = vector.broadcast %get3A_36 : vector<1x128xf32> to vector<1000x128xf32>
    %add3A_38 = arith.addf %dot_general3A_33, %add3A_37 : vector<1000x128xf32>
    %get3A_39 = arith.constant 0 : index
    %get3A_40 = arith.constant 0 : index
    %get3A_41 = vector.load %arg7[%get3A_39, %get3A_40] : memref<128x128xf32, #tpu.memory_space<vmem>>, vector<128x128xf32>
    %dot_general3A_42 = arith.constant dense<0.000000e+00> : vector<1000x128xf32>
    %dot_general3A_43 = tpu.matmul %mul3A_29, %get3A_41, %dot_general3A_42 {dimension_numbers = #tpu.dot_dimension_numbers<[1], [0], [0], [1], [0, 0, 1, 1], [], []>, transpose_lhs_hint = false} : vector<1000x128xf32>, vector<128x128xf32>, vector<1000x128xf32> -> vector<1000x128xf32>
    %get3A_44 = arith.constant 0 : index
    %get3A_45 = arith.constant 0 : index
    %get3A_46 = vector.load %arg8[%get3A_44, %get3A_45] : memref<1x128xf32, #tpu.memory_space<vmem>>, vector<1x128xf32>
    %add3A_47 = vector.broadcast %get3A_46 : vector<1x128xf32> to vector<1000x128xf32>
    %add3A_48 = arith.addf %dot_general3A_43, %add3A_47 : vector<1000x128xf32>
    %mul3A_49 = arith.mulf %add3A_38, %add3A_48 : vector<1000x128xf32>
    %get3A_50 = arith.constant 0 : index
    %get3A_51 = arith.constant 0 : index
    %get3A_52 = arith.constant 0 : index
    %get3A_53 = vector.load %arg4[%get3A_50, %get3A_51, %get3A_52] : memref<1x1x1000xi32, #tpu.memory_space<vmem>>, vector<1x1x1000xi32>
    %get3A_54 = vector.shape_cast %get3A_53 : vector<1x1x1000xi32> to vector<1000xi32>
    %broadcast_in_dim3A = vector.shape_cast %get3A_54 : vector<1000xi32> to vector<1000x1xi32>
    %iota3A = tpu.iota {dimensions = array<i32: 1>} : vector<1000x64xi32>
    %eq3A_55 = vector.broadcast %broadcast_in_dim3A : vector<1000x1xi32> to vector<1000x64xi32>
    %eq3A_56 = arith.cmpi eq, %eq3A_55, %iota3A : vector<1000x64xi32>
    %convert_element_type3A_57 = arith.extui %eq3A_56 : vector<1000x64xi1> to vector<1000x64xi32>
    %convert_element_type3A_58 = arith.sitofp %convert_element_type3A_57 : vector<1000x64xi32> to vector<1000x64xf32>
    %get3A_59 = arith.constant 0 : index
    %get3A_60 = arith.constant 0 : index
    %get3A_61 = vector.load %arg16[%get3A_59, %get3A_60] : memref<64x128xf32, #tpu.memory_space<vmem>>, vector<64x128xf32>
    %dot_general3A_62 = arith.constant dense<0.000000e+00> : vector<64x128xf32>
    %dot_general3A_63 = tpu.matmul %convert_element_type3A_58, %add3A_38, %dot_general3A_62 {dimension_numbers = #tpu.dot_dimension_numbers<[0], [0], [1], [1], [0, 1, 1, 1], [], []>, transpose_lhs_hint = false} : vector<1000x64xf32>, vector<1000x128xf32>, vector<64x128xf32> -> vector<64x128xf32>
    %add3A_64 = arith.addf %get3A_61, %dot_general3A_63 : vector<64x128xf32>
    %swap3A = arith.constant 0 : index
    %swap3A_65 = arith.constant 0 : index
    %swap3A_66 = vector.load %arg16[%swap3A, %swap3A_65] : memref<64x128xf32, #tpu.memory_space<vmem>>, vector<64x128xf32>
    tpu.vector_store %arg16[%swap3A, %swap3A_65], %add3A_64 {strides = array<i32>} : memref<64x128xf32, #tpu.memory_space<vmem>>, vector<64x128xf32>,
    %get3A_67 = arith.constant 0 : index
    %get3A_68 = arith.constant 0 : index
    %get3A_69 = vector.load %arg17[%get3A_67, %get3A_68] : memref<64x128xf32, #tpu.memory_space<vmem>>, vector<64x128xf32>
    %dot_general3A_70 = arith.constant dense<0.000000e+00> : vector<64x128xf32>
    %dot_general3A_71 = tpu.matmul %convert_element_type3A_58, %add3A_48, %dot_general3A_70 {dimension_numbers = #tpu.dot_dimension_numbers<[0], [0], [1], [1], [0, 1, 1, 1], [], []>, transpose_lhs_hint = false} : vector<1000x64xf32>, vector<1000x128xf32>, vector<64x128xf32> -> vector<64x128xf32>
    %add3A_72 = arith.addf %get3A_69, %dot_general3A_71 : vector<64x128xf32>
    %swap3A_73 = arith.constant 0 : index
    %swap3A_74 = arith.constant 0 : index
    %swap3A_75 = vector.load %arg17[%swap3A_73, %swap3A_74] : memref<64x128xf32, #tpu.memory_space<vmem>>, vector<64x128xf32>
    tpu.vector_store %arg17[%swap3A_73, %swap3A_74], %add3A_72 {strides = array<i32>} : memref<64x128xf32, #tpu.memory_space<vmem>>, vector<64x128xf32>,
    %get3A_76 = arith.constant 0 : index
    %get3A_77 = arith.constant 0 : index
    %get3A_78 = vector.load %arg18[%get3A_76, %get3A_77] : memref<64x128xf32, #tpu.memory_space<vmem>>, vector<64x128xf32>
    %dot_general3A_79 = arith.constant dense<0.000000e+00> : vector<64x128xf32>
    %dot_general3A_80 = tpu.matmul %convert_element_type3A_58, %mul3A_49, %dot_general3A_79 {dimension_numbers = #tpu.dot_dimension_numbers<[0], [0], [1], [1], [0, 1, 1, 1], [], []>, transpose_lhs_hint = false} : vector<1000x64xf32>, vector<1000x128xf32>, vector<64x128xf32> -> vector<64x128xf32>
    %add3A_81 = arith.addf %get3A_78, %dot_general3A_80 : vector<64x128xf32>
    %swap3A_82 = arith.constant 0 : index
    %swap3A_83 = arith.constant 0 : index
    %swap3A_84 = vector.load %arg18[%swap3A_82, %swap3A_83] : memref<64x128xf32, #tpu.memory_space<vmem>>, vector<64x128xf32>
    tpu.vector_store %arg18[%swap3A_82, %swap3A_83], %add3A_81 {strides = array<i32>} : memref<64x128xf32, #tpu.memory_space<vmem>>, vector<64x128xf32>,
    %get3A_85 = arith.constant 0 : index
    %get3A_86 = arith.constant 0 : index
    %get3A_87 = vector.load %arg19[%get3A_85, %get3A_86] : memref<64x128xf32, #tpu.memory_space<vmem>>, vector<64x128xf32>
    %reduce_sum3A = arith.constant dense<0.000000e+00> : vector<64xf32>
    %reduce_sum3A_88 = vector.multi_reduction <add>, %convert_element_type3A_58, %reduce_sum3A [0] : vector<1000x64xf32> to vector<64xf32>
    %broadcast_in_dim3A_89 = vector.shape_cast %reduce_sum3A_88 : vector<64xf32> to vector<64x1xf32>
    %broadcast_in_dim3A_90 = vector.shape_cast %broadcast_in_dim3A_89 : vector<64x1xf32> to vector<64x1xf32>
    %broadcast_in_dim3A_91 = vector.broadcast %broadcast_in_dim3A_90 : vector<64x1xf32> to vector<64x128xf32>
    %add3A_92 = arith.addf %get3A_87, %broadcast_in_dim3A_91 : vector<64x128xf32>
    %swap3A_93 = arith.constant 0 : index
    %swap3A_94 = arith.constant 0 : index
    %swap3A_95 = vector.load %arg19[%swap3A_93, %swap3A_94] : memref<64x128xf32, #tpu.memory_space<vmem>>, vector<64x128xf32>
    tpu.vector_store %arg19[%swap3A_93, %swap3A_94], %add3A_92 {strides = array<i32>} : memref<64x128xf32, #tpu.memory_space<vmem>>, vector<64x128xf32>,
    %eq3A_96 = arith.constant 9 : i32
    %eq3A_97 = arith.cmpi eq, %arg0, %eq3A_96 : i32
    %convert_element_type3A_98 = arith.extui %eq3A_97 : i1 to i32
    %cond3A_99 = arith.constant 0 : i32
    %cond3A_100 = arith.cmpi ne, %convert_element_type3A_98, %cond3A_99 : i32
    scf.if %cond3A_100 {
      %get3A_101 = arith.constant 0 : index
      %get3A_102 = arith.constant 0 : index
      %get3A_103 = vector.load %arg19[%get3A_101, %get3A_102] : memref<64x128xf32, #tpu.memory_space<vmem>>, vector<64x128xf32>
      %max3A = arith.constant 1.000000e+00 : f32
      %max3A_104 = vector.broadcast %max3A : f32 to vector<64x128xf32>
      %max3A_105 = arith.maximumf %get3A_103, %max3A_104 : vector<64x128xf32>
      %get3A_106 = arith.constant 0 : index
      %get3A_107 = arith.constant 0 : index
      %get3A_108 = vector.load %arg16[%get3A_106, %get3A_107] : memref<64x128xf32, #tpu.memory_space<vmem>>, vector<64x128xf32>
      %div3A = arith.divf %get3A_108, %max3A_105 : vector<64x128xf32>
      %get3A_109 = arith.constant 0 : index
      %get3A_110 = arith.constant 0 : index
      %get3A_111 = vector.load %arg17[%get3A_109, %get3A_110] : memref<64x128xf32, #tpu.memory_space<vmem>>, vector<64x128xf32>
      %div3A_112 = arith.divf %get3A_111, %max3A_105 : vector<64x128xf32>
      %get3A_113 = arith.constant 0 : index
      %get3A_114 = arith.constant 0 : index
      %get3A_115 = vector.load %arg18[%get3A_113, %get3A_114] : memref<64x128xf32, #tpu.memory_space<vmem>>, vector<64x128xf32>
      %div3A_116 = arith.divf %get3A_115, %max3A_105 : vector<64x128xf32>
      %get3A_117 = arith.constant 0 : index
      %get3A_118 = arith.constant 0 : index
      %get3A_119 = vector.load %arg9[%get3A_117, %get3A_118] : memref<512x128xf32, #tpu.memory_space<vmem>>, vector<512x128xf32>
      %slice3A_120 = vector.extract_strided_slice %get3A_119 {offsets = [0, 0], sizes = [128, 128], strides = [1, 1]} : vector<512x128xf32> to vector<128x128xf32>
      %dot_general3A_121 = arith.constant dense<0.000000e+00> : vector<64x128xf32>
      %dot_general3A_122 = tpu.matmul %div3A, %slice3A_120, %dot_general3A_121 {dimension_numbers = #tpu.dot_dimension_numbers<[1], [0], [0], [1], [0, 0, 1, 1], [], []>, transpose_lhs_hint = false} : vector<64x128xf32>, vector<128x128xf32>, vector<64x128xf32> -> vector<64x128xf32>
      %slice3A_123 = vector.extract_strided_slice %get3A_119 {offsets = [128, 0], sizes = [128, 128], strides = [1, 1]} : vector<512x128xf32> to vector<128x128xf32>
      %dot_general3A_124 = arith.constant dense<0.000000e+00> : vector<64x128xf32>
      %dot_general3A_125 = tpu.matmul %div3A_112, %slice3A_123, %dot_general3A_124 {dimension_numbers = #tpu.dot_dimension_numbers<[1], [0], [0], [1], [0, 0, 1, 1], [], []>, transpose_lhs_hint = false} : vector<64x128xf32>, vector<128x128xf32>, vector<64x128xf32> -> vector<64x128xf32>
      %add3A_126 = arith.addf %dot_general3A_122, %dot_general3A_125 : vector<64x128xf32>
      %slice3A_127 = vector.extract_strided_slice %get3A_119 {offsets = [256, 0], sizes = [128, 128], strides = [1, 1]} : vector<512x128xf32> to vector<128x128xf32>
      %dot_general3A_128 = arith.constant dense<0.000000e+00> : vector<64x128xf32>
      %dot_general3A_129 = tpu.matmul %div3A_116, %slice3A_127, %dot_general3A_128 {dimension_numbers = #tpu.dot_dimension_numbers<[1], [0], [0], [1], [0, 0, 1, 1], [], []>, transpose_lhs_hint = false} : vector<64x128xf32>, vector<128x128xf32>, vector<64x128xf32> -> vector<64x128xf32>
      %add3A_130 = arith.addf %add3A_126, %dot_general3A_129 : vector<64x128xf32>
      %sub3A_131 = arith.subf %div3A, %div3A_112 : vector<64x128xf32>
      %slice3A_132 = vector.extract_strided_slice %get3A_119 {offsets = [384, 0], sizes = [128, 128], strides = [1, 1]} : vector<512x128xf32> to vector<128x128xf32>
      %dot_general3A_133 = arith.constant dense<0.000000e+00> : vector<64x128xf32>
      %dot_general3A_134 = tpu.matmul %sub3A_131, %slice3A_132, %dot_general3A_133 {dimension_numbers = #tpu.dot_dimension_numbers<[1], [0], [0], [1], [0, 0, 1, 1], [], []>, transpose_lhs_hint = false} : vector<64x128xf32>, vector<128x128xf32>, vector<64x128xf32> -> vector<64x128xf32>
      %add3A_135 = arith.addf %add3A_130, %dot_general3A_134 : vector<64x128xf32>
      %get3A_136 = arith.constant 0 : index
      %get3A_137 = arith.constant 0 : index
      %get3A_138 = vector.load %arg10[%get3A_136, %get3A_137] : memref<1x128xf32, #tpu.memory_space<vmem>>, vector<1x128xf32>
      %add3A_139 = vector.broadcast %get3A_138 : vector<1x128xf32> to vector<64x128xf32>
      %add3A_140 = arith.addf %add3A_135, %add3A_139 : vector<64x128xf32>
      %gt3A = arith.constant 0.000000e+00 : f32
      %gt3A_141 = vector.broadcast %gt3A : f32 to vector<64x128xf32>
      %gt3A_142 = arith.cmpf ogt, %get3A_103, %gt3A_141 : vector<64x128xf32>
      %jit3A = arith.constant 0.000000e+00 : f32
      %broadcast_in_dim3A_143 = vector.broadcast %jit3A : f32 to vector<64x128xf32>
      %select_n3A = arith.select %gt3A_142, %add3A_140, %broadcast_in_dim3A_143 : vector<64x128xi1>, vector<64x128xf32>
      %get3A_144 = arith.constant 0 : index
      %get3A_145 = arith.constant 0 : index
      %get3A_146 = vector.load %arg11[%get3A_144, %get3A_145] : memref<128x128xf32, #tpu.memory_space<vmem>>, vector<128x128xf32>
      %dot_general3A_147 = arith.constant dense<0.000000e+00> : vector<64x128xf32>
      %dot_general3A_148 = tpu.matmul %select_n3A, %get3A_146, %dot_general3A_147 {dimension_numbers = #tpu.dot_dimension_numbers<[1], [0], [0], [1], [0, 0, 1, 1], [], []>, transpose_lhs_hint = false} : vector<64x128xf32>, vector<128x128xf32>, vector<64x128xf32> -> vector<64x128xf32>
      %get3A_149 = arith.constant 0 : index
      %get3A_150 = arith.constant 0 : index
      %get3A_151 = vector.load %arg12[%get3A_149, %get3A_150] : memref<1x128xf32, #tpu.memory_space<vmem>>, vector<1x128xf32>
      %add3A_152 = vector.broadcast %get3A_151 : vector<1x128xf32> to vector<64x128xf32>
      %add3A_153 = arith.addf %dot_general3A_148, %add3A_152 : vector<64x128xf32>
      %max3A_154 = arith.constant 0.000000e+00 : f32
      %max3A_155 = vector.broadcast %max3A_154 : f32 to vector<64x128xf32>
      %max3A_156 = arith.maximumf %add3A_153, %max3A_155 : vector<64x128xf32>
      %get3A_157 = arith.constant 0 : index
      %get3A_158 = arith.constant 0 : index
      %get3A_159 = vector.load %arg13[%get3A_157, %get3A_158] : memref<128x2xf32, #tpu.memory_space<vmem>>, vector<128x2xf32>
      %dot_general3A_160 = arith.constant dense<0.000000e+00> : vector<64x2xf32>
      %dot_general3A_161 = tpu.matmul %max3A_156, %get3A_159, %dot_general3A_160 {dimension_numbers = #tpu.dot_dimension_numbers<[1], [0], [0], [1], [0, 0, 1, 1], [], []>, transpose_lhs_hint = false} : vector<64x128xf32>, vector<128x2xf32>, vector<64x2xf32> -> vector<64x2xf32>
      %get3A_162 = arith.constant 0 : index
      %get3A_163 = arith.constant 0 : index
      %get3A_164 = vector.load %arg14[%get3A_162, %get3A_163] : memref<1x2xf32, #tpu.memory_space<vmem>>, vector<1x2xf32>
      %add3A_165 = vector.broadcast %get3A_164 : vector<1x2xf32> to vector<64x2xf32>
      %add3A_166 = arith.addf %dot_general3A_161, %add3A_165 : vector<64x2xf32>
      %swap3A_167 = arith.constant 0 : index
      %swap3A_168 = arith.constant 0 : index
      %swap3A_169 = vector.load %arg15[%swap3A_167, %swap3A_168] : memref<64x2xf32, #tpu.memory_space<vmem>>, vector<64x2xf32>
      tpu.vector_store %arg15[%swap3A_167, %swap3A_168], %add3A_166 {strides = array<i32>} : memref<64x2xf32, #tpu.memory_space<vmem>>, vector<64x2xf32>,
    } else {
    }
    return
  }
  func.func @transform_0(%arg0: i32) -> (i32, i32, i32) {
    %c0_i32 = arith.constant 0 : i32
    %c0_i32_0 = arith.constant 0 : i32
    %c0_i32_1 = arith.constant 0 : i32
    return %c0_i32, %arg0, %c0_i32_0 : i32, i32, i32
  }
  func.func @transform_1(%arg0: i32) -> (i32, i32) {
    %c0_i32 = arith.constant 0 : i32
    %c0_i32_0 = arith.constant 0 : i32
    return %arg0, %c0_i32 : i32, i32
  }
  func.func @transform_2(%arg0: i32) -> (i32, i32, i32) {
    %c0_i32 = arith.constant 0 : i32
    %c0_i32_0 = arith.constant 0 : i32
    %c0_i32_1 = arith.constant 0 : i32
    return %c0_i32, %arg0, %c0_i32_0 : i32, i32, i32
  }
  func.func @transform_3(%arg0: i32) -> (i32, i32, i32) {
    %c0_i32 = arith.constant 0 : i32
    %c0_i32_0 = arith.constant 0 : i32
    %c0_i32_1 = arith.constant 0 : i32
    return %arg0, %c0_i32, %c0_i32_0 : i32, i32, i32
  }
  func.func @transform_4(%arg0: i32) -> (i32, i32) {
    %c0_i32 = arith.constant 0 : i32
    %c0_i32_0 = arith.constant 0 : i32
    %c0_i32_1 = arith.constant 0 : i32
    return %c0_i32, %c0_i32_0 : i32, i32
  }
  func.func @transform_5(%arg0: i32) -> (i32, i32) {
    %c0_i32 = arith.constant 0 : i32
    %c0_i32_0 = arith.constant 0 : i32
    %c0_i32_1 = arith.constant 0 : i32
    return %c0_i32, %c0_i32_0 : i32, i32
  }
  func.func @transform_6(%arg0: i32) -> (i32, i32) {
    %c0_i32 = arith.constant 0 : i32
    %c0_i32_0 = arith.constant 0 : i32
    %c0_i32_1 = arith.constant 0 : i32
    return %c0_i32, %c0_i32_0 : i32, i32
  }
  func.func @transform_7(%arg0: i32) -> (i32, i32) {
    %c0_i32 = arith.constant 0 : i32
    %c0_i32_0 = arith.constant 0 : i32
    %c0_i32_1 = arith.constant 0 : i32
    return %c0_i32, %c0_i32_0 : i32, i32
  }
  func.func @transform_8(%arg0: i32) -> (i32, i32) {
    %c0_i32 = arith.constant 0 : i32
    %c0_i32_0 = arith.constant 0 : i32
    %c0_i32_1 = arith.constant 0 : i32
    return %c0_i32, %c0_i32_0 : i32, i32
  }
  func.func @transform_9(%arg0: i32) -> (i32, i32) {
    %c0_i32 = arith.constant 0 : i32
    %c0_i32_0 = arith.constant 0 : i32
    %c0_i32_1 = arith.constant 0 : i32
    return %c0_i32, %c0_i32_0 : i32, i32
  }
  func.func @transform_10(%arg0: i32) -> (i32, i32) {
    %c0_i32 = arith.constant 0 : i32
    %c0_i32_0 = arith.constant 0 : i32
    %c0_i32_1 = arith.constant 0 : i32
    return %c0_i32, %c0_i32_0 : i32, i32
  }
  func.func @transform_11(%arg0: i32) -> (i32, i32) {
    %c0_i32 = arith.constant 0 : i32
    %c0_i32_0 = arith.constant 0 : i32
    %c0_i32_1 = arith.constant 0 : i32
    return %c0_i32, %c0_i32_0 : i32, i32
  }
  func.func @transform_12(%arg0: i32) -> (i32, i32) {
    %c0_i32 = arith.constant 0 : i32
    %c0_i32_0 = arith.constant 0 : i32
    %c0_i32_1 = arith.constant 0 : i32
    return %c0_i32, %c0_i32_0 : i32, i32
  }
  func.func @transform_13(%arg0: i32) -> (i32, i32) {
    %c0_i32 = arith.constant 0 : i32
    %c0_i32_0 = arith.constant 0 : i32
    %c0_i32_1 = arith.constant 0 : i32
    return %c0_i32, %c0_i32_0 : i32, i32
  }
  func.func @transform_14(%arg0: i32) -> (i32, i32) {
    %c0_i32 = arith.constant 0 : i32
    %c0_i32_0 = arith.constant 0 : i32
    %c0_i32_1 = arith.constant 0 : i32
    return %c0_i32, %c0_i32_0 : i32, i32
  }
}

</mosaic_0001>

<sc_bundles>
// kernel: kernel.6.cloned.1.call-start
scs
__scs_entry_jumppad:
0x0: {  	(pc) =	sbr.rel $0x88, $3  }
0x1: {  	(tag) =	ssettag $0x0;
	lr =	simm.s32 $0x1  }
0x2: {  	[smem:$0x3F94] =	sst lr;
	_ =	strace $0xD0000000  }
0x3: {  	_ = 	snop  }
0x4: {  	_ = 	snop  }
0x5: {  	_ = 	snop  }
0x6: {  	_ = 	snop  }
0x7: {  	_ = 	snop  }
__scs_overlays_trampoline_lowered:
0x8: {  	[smem:$0x3FA3] =	sst s0  }
0x9: {  	[smem:$0x3FA4] =	sst s1  }
0xa: {  	[smem:$0x3FA5] =	sst s2  }
0xb: {  	[smem:$0x3FA6] =	sst s3  }
0xc: {  	[smem:$0x3FA7] =	sst s4  }
0xd: {  	[smem:$0x3FA8] =	sst s5  }
0xe: {  	[smem:$0x3FA9] =	sst s6  }
0xf: {  	[smem:$0x3FAA] =	sst s7  }
0x10: {  	[smem:$0x3FAB] =	sst s8  }
0x11: {  	[smem:$0x3FAC] =	sst s9;
	s0 =	simm.s32 @!p0 $0x0  }
0x12: {  	s1 =	sld [smem:$0x3F92];
	s0 =	simm.s32 @p0 $0x1  }
0x13: {  	[smem:$0x3FAD] =	sst s0;
	s0 =	simm.s32 @!p1 $0x0  }
0x14: {  	s2 =	sld [smem:$0x3F91];
	s0 =	simm.s32 @p1 $0x1  }
0x15: {  	[smem:$0x3FAE] =	sst s0;
	s0 =	simm.s32 @!p2 $0x0  }
0x16: {  	s3 =	sld [smem:$0x3FDB];
	s0 =	simm.s32 @p2 $0x1  }
0x17: {  	s4 =	simm.s32 $0x1BF5;
	[smem:$0x3FB0] =	sst s0  }
0x18: {  	s0 =	sld [smem:$0x3F93];
	_ =	swait.ge [sflag:s4], $0x0  }
0x19: {  	s7 =	sld [smem:$0x3F94]  }
0x1a: {  	s8 =	sadd.s32 $0xFFFFE003, lr  }
0x1b: {  	s9 =	sadd.s32 $0xFFFFFEF7, lr;
	s5 =	simm.s32 $0xFFFFFFFF;
	p2 =	slt.u32 s8, $0xFFFFF086  }
0x1c: {  	p1 =	slt.u32 s9, $0xF7A;
	s5 =	simm.s32 @!p2 $0x0  }
0x1d: {  	s5 =	simm.s32 @p1 $0x1;
	p0 =	seq.s32 s7, s2  }
0x1e: {  	s7 =	smul.u32 @!p0 $0xF7A, s2;
	p2 =	seq.s32 @!p0 s5, $0x0  }
0x1f: {  	s9 =	smul.u32 $0xF7A, s1;
	s8 =	simm.s32 @!p0 $0x1BF5;
	p2 =	por !p2, p0  }
0x20: {  	[sflag:s8] =	ssyncset.s32 @!p0 $0xFFFFF086;
	s6 =	sadd.s32 @!p0 s3, s7;
	s7 =	simm.s32 @!p0 $0x108  }
0x21: {  	s3 =	sadd.s32 s3, s9;
	s6 =	sadd.s32 @!p0 $0x88, s6;
	s7 =	simm.s32 @p2 $0x1082  }
0x22: {  	[simem:s7], [sflag:s8] =	dma.local @!p0 [hbm:s6], $0xF7A  }
0x23: {  	s9 =	sor.u32 $0xD0000000, s2;
	s6 =	simm.s32 $0x108;
	_ =	swait.ge @!p0 [sflag:s8], $0x0  }
0x24: {  	s3 =	sadd.s32 $0x88, s3;
	s6 =	simm.s32 @!p1 $0x1082;
	[sflag:s4] =	ssyncset.s32 $0xFFFFF086  }
0x25: {  	[simem:s6], [sflag:s4] =	dma.local [hbm:s3], $0xF7A  }
0x26: {  	[smem:$0x3F94] =	sst s1;
	(tag) =	ssettag s2;
	_ =	strace s9  }
0x27: {  	s1 =	sld [smem:$0x3FA4]  }
0x28: {  	s2 =	sld [smem:$0x3FA5]  }
0x29: {  	s4 =	sld [smem:$0x3FA7]  }
0x2a: {  	p0 =	seq.s32 s5, $0x0;
	s5 =	sld [smem:$0x3FA8]  }
0x2b: {  	s6 =	sld [smem:$0x3FA9]  }
0x2c: {  	s7 =	sld [smem:$0x3FAA]  }
0x2d: {  	s3 =	simm.s32 $0x108;
	s8 =	sld [smem:$0x3FAB]  }
0x2e: {  	s3 =	simm.s32 @!p0 $0x1082;
	s9 =	sld [smem:$0x3FAC]  }
0x2f: {  	lr =	sadd.s32 s0, s3;
	s0 =	sld [smem:$0x3FA3]  }
0x30: {  	s3 =	sld [smem:$0x3FA6]  }
0x31: {  	[smem:$0x3FAF] =	sst s10  }
0x32: {  	s10 =	sld [smem:$0x3FAD];
	_ =	sdelay $0x3  }
0x33: {  	p0 =	seq.s32 s10, $0x1;
	s10 =	sld [smem:$0x3FAF];
	_ =	sdelay $0x3  }
0x34: {  	[smem:$0x3FAF] =	sst s10  }
0x35: {  	s10 =	sld [smem:$0x3FAE];
	_ =	sdelay $0x3  }
0x36: {  	p1 =	seq.s32 s10, $0x1;
	s10 =	sld [smem:$0x3FAF];
	_ =	sdelay $0x3  }
0x37: {  	[smem:$0x3FAF] =	sst s10  }
0x38: {  	s10 =	sld [smem:$0x3FB0]  }
0x39: {  	_ = 	snop;
	(pc) =	sbr.ind lr, $3  }
0x3a: {  	_ = 	snop  }
0x3b: {  	_ = 	snop  }
0x3c: {  	p2 =	seq.s32 s10, $0x1;
	s10 =	sld [smem:$0x3FAF]  }
0x3d: {  	_ =	shalt  }
0x3e: {  	_ =	shalt  }
0x3f: {  	_ =	shalt  }
0x40: {  	_ =	shalt  }
0x41: {  	_ =	shalt  }
0x42: {  	_ =	shalt  }
0x43: {  	_ =	shalt  }
0x44: {  	_ =	shalt  }
0x45: {  	_ =	shalt  }
0x46: {  	_ =	shalt  }
0x47: {  	_ =	shalt  }
0x48: {  	_ =	shalt  }
0x49: {  	_ =	shalt  }
0x4a: {  	_ =	shalt  }
0x4b: {  	_ =	shalt  }
0x4c: {  	_ =	shalt  }
0x4d: {  	_ =	shalt  }
0x4e: {  	_ =	shalt  }
0x4f: {  	_ =	shalt  }
0x50: {  	_ =	shalt  }
0x51: {  	_ =	shalt  }
0x52: {  	_ =	shalt  }
0x53: {  	_ =	shalt  }
0x54: {  	_ =	shalt  }
0x55: {  	_ =	shalt  }
0x56: {  	_ =	shalt  }
0x57: {  	_ =	shalt  }
0x58: {  	_ =	shalt  }
0x59: {  	_ =	shalt  }
0x5a: {  	_ =	shalt  }
0x5b: {  	_ =	shalt  }
0x5c: {  	_ =	shalt  }
0x5d: {  	_ =	shalt  }
0x5e: {  	_ =	shalt  }
0x5f: {  	_ =	shalt  }
0x60: {  	_ =	shalt  }
0x61: {  	_ =	shalt  }
0x62: {  	_ =	shalt  }
0x63: {  	_ =	shalt  }
0x64: {  	_ =	shalt  }
0x65: {  	_ =	shalt  }
0x66: {  	_ =	shalt  }
0x67: {  	_ =	shalt  }
0x68: {  	_ =	shalt  }
0x69: {  	_ =	shalt  }
0x6a: {  	_ =	shalt  }
0x6b: {  	_ =	shalt  }
0x6c: {  	_ =	shalt  }
0x6d: {  	_ =	shalt  }
0x6e: {  	_ =	shalt  }
0x6f: {  	_ =	shalt  }
0x70: {  	_ =	shalt  }
0x71: {  	_ =	shalt  }
0x72: {  	_ =	shalt  }
0x73: {  	_ =	shalt  }
0x74: {  	_ =	shalt  }
0x75: {  	_ =	shalt  }
0x76: {  	_ =	shalt  }
0x77: {  	_ =	shalt  }
0x78: {  	_ =	shalt  }
0x79: {  	_ =	shalt  }
0x7a: {  	_ =	shalt  }
0x7b: {  	_ =	shalt  }
0x7c: {  	_ =	shalt  }
0x7d: {  	_ =	shalt  }
0x7e: {  	_ =	shalt  }
0x7f: {  	_ =	shalt  }
0x80: {  	_ =	shalt  }
0x81: {  	_ =	shalt  }
0x82: {  	_ =	shalt  }
0x83: {  	_ =	shalt  }
0x84: {  	_ =	shalt  }
0x85: {  	_ =	shalt  }
0x86: {  	_ =	shalt  }
0x87: {  	_ =	shalt  }
.Lfunc_end0:
.L_simem_size_0:
called_computation_lowered:
.L_overlay_start_0:
0x88: {  	s2 =	sld [smem:$0x3FD9]  }
0x89: {  	s3 =	sld [smem:$0x3FFE];
	_ =	sdelay $0x1  }
0x8a: {  	s1 =	srdreg.scid  }
0x8b: {  	s0 =	sand.u32 $0x1, s1  }
0x8c: {  	s16 =	sshll.u32 s0, $0xA;
	s2 =	sadd.s32 s3, s2  }
0x8d: {  	s2 =	sadd.s32 s2, s16  }
0x8e: {  	[smem:$0x3FBB] =	sst s2  }
0x8f: {  	_ = 	snop  }
0x90: {  	(tm) =	ssettm $0x1  }
0x91: {  	s17 =	sld [smem:$0x3FFB];
	_ =	sdelay $0x3  }
0x92: {  	_ =	strace s17  }
0x93: {  	s2 =	sld [smem:$0x3FFC];
	_ =	sdelay $0x3  }
0x94: {  	_ =	strace s2  }
0x95: {  	s2 =	sld [smem:$0x3FFD];
	_ =	sdelay $0x3  }
0x96: {  	_ =	strace s2  }
0x97: {  	_ =	strace $0x8FFFFFFF  }
0x98: {  	s18 =	sld [smem:$0x3FDB];
	_ =	sdelay $0x1  }
0x99: {  	s19 =	simm.s32 $_scs_section_size  }
0x9a: {  	s4 =	simm.s32 $_size__tile_overlayer_lowered;
	s5 =	simm.s32 $_tile_overlayer_lowered  }
0x9b: {  	s22 =	simm.s32 $0x1BFF;
	s21 =	sshll.u32 s5, $0x1;
	s2 =	sadd.s32 s19, s18  }
0x9c: {  	s6 =	simm.s32 $0x0;
	s20 =	sshll.u32 s4, $0x1;
	s4 =	sadd.s32 s21, s2  }
0x9d: {  	[timem:s6], [sflag:s22] =	dma.local [hbm:s4], s20  }
0x9e: {  	_ =	swait.ge [sflag:s22], s20  }
0x9f: {  	s3 =	ssub.s32 $0x0, s20;
	[sflag:s22] =	ssyncset.done $0x0  }
0xa0: {  	[sflag:s22] =	ssyncadd.s32 s3;
	_ =	sdelay $0x1  }
0xa1: {  	s23 =	simm.s32 $0x1B8B  }
0xa2: {  	_ =	swait.ge [sflag:s23], $0x1  }
0xa3: {  	[sflag:s23] =	ssyncset.done $0x0  }
0xa4: {  	s25 =	simm.s32 $0x1B8E;
	s24 =	sld [smem:$0x3FFE];
	[sflag:s23] =	ssyncadd.s32 $0xFFFFFFFF  }
0xa5: {  	s26 =	simm.s32 $execute0_lowered;
	[smem:$0x3FD2] =	sst s25  }
0xa6: {  	s4 =	sshll.u32 s26, $0x1;
	_ =	strace $0x80000046;
	[dreg:$0x1] =	wrdreg $0xFFFFFFFF  }
0xa7: {  	s28 =	simm.s32 $_size_execute0_lowered;
	s2 =	sadd.s32 s2, s4;
	[dreg:$0x0] =	wrdreg $0x0  }
0xa8: {  	s4 =	sshll.u32 s28, $0x1;
	[dreg:$0x2] =	wrdreg s2  }
0xa9: {  	[dreg:$0x3] =	wrdreg s4  }
0xaa: {  	[dreg:$0x4] =	wrdreg $0xC0  }
0xab: {  	_ =	task [dreg:s6], $0x5FFFF  }
0xac: {  	[dreg:$0x1] =	wrdreg $0xFFFFFFFF  }
0xad: {  	[dreg:$0x0] =	wrdreg $0x60  }
0xae: {  	[dreg:$0x2] =	wrdreg s24  }
0xaf: {  	[dreg:$0x3] =	wrdreg $0x68000  }
0xb0: {  	[dreg:$0x4] =	wrdreg $0x9  }
0xb1: {  	_ =	task.clear_ibuf [dreg:s6], $0x5FFFF;
	_ =	strace $0x90000046  }
0xb2: {  	s29 =	simm.s32 $0x9;
	_ =	strace $0x80000048  }
0xb3: {  	_ =	swait.ge [sflag:s29], $0x1  }
0xb4: {  	[sflag:s29] =	ssyncadd.s32 $0xFFFFFFFF  }
0xb5: {  	_ =	strace $0x90000048  }
0xb6: {  	_ =	sfence  }
0xb7: {  	s30 =	sld [smem:$0x0];
	_ =	sdelay $0x2  }
0xb8: {  	s31 =	sshll.u32 s1, $0xD;
	s1 =	sshrl.u32 s1, $0x2  }
0xb9: {  	s3 =	sand.u32 $0x4000, s31;
	s1 =	sadd.s32 s1, s30  }
0xba: {  	s0 =	sor.u32 s3, s0;
	s1 =	sshll.u32 s1, $0x11  }
0xbb: {  	s0 =	sor.u32 s1, s0  }
0xbc: {  	s0 =	sadd.s32 $0x8F2B, s0  }
0xbd: {  	[sflag:s0] =	ssyncadd.remote.s32 $0x1  }
0xbe: {  	_ =	sfence.sel $0xFFFF  }
0xbf: {  	[dreg:$0x0] =	wrdreg $0xFFFFFFFF;
	(pc) =	sbr.abs _section_cstart, $3  }
0xc0: {  	[dreg:$0x1] =	wrdreg $0xFFFFFFFF  }
0xc1: {  	_ =	task.clear_ibuf [dreg:s6], $0x2FFFF;
	_ =	strace $0x9FFFFFFF  }
0xc2: {  	(tm) =	ssettm $0x7FFFFFFF  }
0xc3: {  	_ =	shalt  }
tec
execute0_lowered:
.L_overlay_start_1:
0x0: {  	(tag) =	ssettag $0x1  }
0x1: {  	s1 =	srdreg.scid;
	s5 =	rddreg [dreg:$0x0]  }
0x2: {  	s0 =	stileid.u32;
	s2 =	rddreg [dreg:$0x1];
	s3 =	simm.s32 $0x0  }
0x3: {  	s14 =	simm.s32 $0x100;
	s15 =	simm.s32 $0x180;
	s16 =	simm.s32 $0x1  }
0x4: {  	s17 =	simm.s32 $0x0;
	s6 =	sand.u32 $0x1, s1;
	s1 =	rddreg [dreg:$0x2]  }
0x5: {  	s28 =	sshll.u32 s0, $0x1;
	[smem:$0x7FF] =	sst s3;
	s7 =	smul.u32 $0x13C00, s0  }
0x6: {  	s29 =	smul.u32 $0x4F000, s0;
	s31 =	sshll.u32 s0, $0x6;
	s4 =	sor.u32 s6, s28  }
0x7: {  	_ =	strace $0x80000047;
	s8 =	smul.u32 $0x13C000, s6;
	s6 =	ssub.s32 $0x2, s6  }
0x8: {  	s4 =	smul.u32 $0x500, s4;
	s10 =	sshrl.u32 s7, $0x3;
	s11 =	sshrl.u32 s6, $0x1  }
0x9: {  	s30 =	sshrl.u32 s29, $0x2;
	s7 =	sadd.s32 s7, s8;
	s10 =	sadd.s32 s10, s5  }
0xa: {  	s11 =	ssub.s32 s6, s11;
	s13 =	sadd.s32 s30, s2;
	s6 =	sor.u32 $0x1C02, s31  }
0xb: {  	s9 =	sadd.s32 s4, s5;
	s4 =	sadd.s32 $0x3E600, s5;
	s7 =	sshrl.u32 s7, $0x3  }
0xc: {  	s12 =	sadd.s32 s7, s5;
	s5 =	sadd.s32 $0x16E00, s10;
	s7 =	sadd.s32 $0x2E00, s9  }
0xd: {  	s9 =	smax.u32 s11, $0x1;
	s10 =	sshrl.u32 s13, $0x3;
	s11 =	simm.s32 $0x2  }
0xe: {  	s13 =	simm.s32 $0x80;
	s8 =	sadd.s32 $0x3EE00, s12;
	s12 =	simm.s32 $0x2800  }
.LBB2_1:
0xf: {  	[spmem:s10], [sflag:s6] =	dma.local [hbm:s5], $0x2780  }
0x10: {  	_ =	swait.ge [sflag:s11], $0x2780  }
0x11: {  	[sflag:s11] =	ssyncset.done $0x0  }
0x12: {  	[sflag:s11] =	ssyncadd.s32 $0xFFFFD880  }
0x13: {  	[tilespmem:s3], [sflag:$0x2] =	stream.linear.gather [hbm4b:s7+s3], $0x2800, $0x38;
	[tilespmem:$0x1A400] =	vst v63  }
0x14: {  	_ =	swait.ge [sflag:s11], $0x2800  }
0x15: {  	[sflag:s11] =	ssyncset.done $0x0  }
0x16: {  	[sflag:s11] =	ssyncadd.s32 $0xFFFFD800  }
0x17: {  	[tilespmem:s12], [sflag:$0x2] =	stream.linear.gather [hbm4b:s4+s3], $0x4000, $0x38;
	[tilespmem:$0x1A400] =	vst v63  }
0x18: {  	_ =	swait.ge [sflag:s11], $0x4000  }
0x19: {  	[sflag:s11] =	ssyncset.done $0x0  }
0x1a: {  	[sflag:s11] =	ssyncadd.s32 $0xFFFFC000  }
0x1b: {  	[bflag:$0x0] =	sbarrier.arrive $0xFFFF  }
0x1c: {  	[spmem:s2] =	stream.indirect.scatter.add.f32 [tilespmem:s12], [sflag:$0x1], $0x80, s3, s13, $0xb8;
	[tilespmem:$0x1A400] =	vst v63  }
0x1d: {  	_ = 	snop  }
0x1e: {  	[spmem:s2] =	stream.indirect.scatter.add.f32 [tilespmem:s12], [sflag:$0x1], $0x80, s13, s13, $0xb8;
	[tilespmem:$0x1A400] =	vst v63  }
0x1f: {  	_ = 	snop  }
0x20: {  	[spmem:s2] =	stream.indirect.scatter.add.f32 [tilespmem:s12], [sflag:$0x1], $0x80, s14, s13, $0xb8;
	[tilespmem:$0x1A400] =	vst v63  }
0x21: {  	_ = 	snop  }
0x22: {  	[spmem:s2] =	stream.indirect.scatter.add.f32 [tilespmem:s12], [sflag:$0x1], $0x80, s15, s13, $0xb8;
	[tilespmem:$0x1A400] =	vst v63  }
0x23: {  	_ =	swait.ge [sflag:s16], $0x4000  }
0x24: {  	[sflag:s16] =	ssyncset.done $0x0  }
0x25: {  	s18 =	simm.s32 $0xA00;
	s19 =	simm.s32 $0x200;
	[sflag:s16] =	ssyncadd.s32 $0xFFFFC000  }
.LBB2_2:
0x26: {  	[spmem:s2] =	stream.indirect.scatter.add.f32 [tilespmem:s12], [sflag:$0x1], $0x80, s19, s13, $0xb8;
	[tilespmem:$0x1A400] =	vst v63  }
0x27: {  	s19 =	smov.u32 s18;
	p0 =	sne.s32 s18, $0x9E00  }
.Ltmp0:
0x28: {  	s18 =	sadd.s32 $0x200, s18;
	(pc) =	sbr.rel @p0 .LBB2_2-.Ltmp0, $4  }
0x29: {  	_ = 	snop  }
0x2a: {  	_ =	swait.ge [sflag:s16], $0x4000  }
0x2b: {  	[sflag:s16] =	ssyncset.done $0x0  }
0x2c: {  	s19 =	sshra.s32 s19, $0x2;
	[sflag:s16] =	ssyncadd.s32 $0xFFFFC000  }
0x2d: {  	[spmem:s2] =	stream.indirect.scatter.add.f32 [tilespmem:s12], [sflag:$0x1], $0x80, s19, s13, $0xb8;
	[tilespmem:$0x1A400] =	vst v63  }
0x2e: {  	_ =	swait.ge [sflag:s16], $0x4000  }
0x2f: {  	[sflag:s16] =	ssyncset.done $0x0  }
0x30: {  	[sflag:s16] =	ssyncadd.s32 $0xFFFFC000  }
0x31: {  	_ =	swait.ge [sflag:s16], $0x4000  }
0x32: {  	[sflag:s16] =	ssyncset.done $0x0  }
0x33: {  	[sflag:s16] =	ssyncadd.s32 $0xFFFFC000  }
0x34: {  	_ =	swait.ge [sflag:s16], $0x4000  }
0x35: {  	[sflag:s16] =	ssyncset.done $0x0  }
0x36: {  	[sflag:s16] =	ssyncadd.s32 $0xFFFFC000  }
0x37: {  	_ =	swait.ge [sflag:s16], $0x4000  }
0x38: {  	s17 =	sadd.s32 $0x1, s17;
	[sflag:s16] =	ssyncset.done $0x0  }
0x39: {  	p0 =	sne.s32 s17, s9;
	[sflag:s16] =	ssyncadd.s32 $0xFFFFC000  }
.Ltmp1:
0x3a: {  	[bflag:$0x0] =	sbarrier.arrive $0xFFFF;
	(pc) =	sbr.rel @p0 .LBB2_1-.Ltmp1, $4  }
0x3b: {  	[hbm:s8], [sflag:s6] =	dma.local [spmem:s10], $0x2780  }
0x3c: {  	_ =	swait.ge [sflag:s11], $0x2780  }
0x3d: {  	[sflag:s11] =	ssyncset.done $0x0  }
0x3e: {  	[sflag:s11] =	ssyncadd.s32 $0xFFFFD880  }
0x3f: {  	_ =	sfence.sel $0x180000  }
0x40: {  	[bflag:$0x0] =	sbarrier.arrive $0xFFFF  }
0x41: {  	p0 =	sne.s32 s0, $0x0;
	_ =	strace $0x90000047  }
0x42: {  	s0 =	sadd.s32 @!p0 $0x100000, s1;
	[bflag:$0x2] =	sbarrier.arrive $0xFFFF  }
0x43: {  	[sflag:s0] =	ssyncadd.tile.s32 @!p0 $0x1;
	_ =	shalt  }
.Lfunc_end2:
_tile_overlayer_lowered:
.L_overlay_start_2:
0x44: {  	(tag) =	ssettag $0x2  }
0x45: {  	s0 =	rddreg [dreg:$0x0];
	s2 =	stileid.u32  }
0x46: {  	s1 =	rddreg [dreg:$0x1];
	p0 =	sne.s32 s2, $0x0  }
0x47: {  	s3 =	rddreg [dreg:$0x2];
	[bflag:$0x3] =	sbarrier.arrive $0xFFFF;
	s2 =	simm.s32 @!p0 $0x1C02  }
0x48: {  	[timem:s3], [sflag:s2] =	dma.local @!p0 [hbm:s0], s1  }
0x49: {  	s0 =	simm.s32 @!p0 $0x2  }
0x4a: {  	_ =	swait.ge @!p0 [sflag:s0], s1  }
0x4b: {  	s1 =	ssub.s32 @!p0 $0x0, s1;
	[sflag:s0] =	ssyncset.done @!p0 $0x0  }
0x4c: {  	[sflag:s0] =	ssyncadd.s32 @!p0 s1  }
0x4d: {  	[bflag:$0x3] =	sbarrier.arrive $0xFFFF  }
0x4e: {  	_ =	shalt  }

// kernel: kernel.9.cloned.1.call-start
scs
__scs_entry_jumppad:
0x0: {  	(pc) =	sbr.rel $0x88, $3  }
0x1: {  	(tag) =	ssettag $0x0;
	lr =	simm.s32 $0x1  }
0x2: {  	[smem:$0x3F94] =	sst lr;
	_ =	strace $0xD0000000  }
0x3: {  	_ = 	snop  }
0x4: {  	_ = 	snop  }
0x5: {  	_ = 	snop  }
0x6: {  	_ = 	snop  }
0x7: {  	_ = 	snop  }
__scs_overlays_trampoline_lowered:
0x8: {  	[smem:$0x3FA3] =	sst s0  }
0x9: {  	[smem:$0x3FA4] =	sst s1  }
0xa: {  	[smem:$0x3FA5] =	sst s2  }
0xb: {  	[smem:$0x3FA6] =	sst s3  }
0xc: {  	[smem:$0x3FA7] =	sst s4  }
0xd: {  	[smem:$0x3FA8] =	sst s5  }
0xe: {  	[smem:$0x3FA9] =	sst s6  }
0xf: {  	[smem:$0x3FAA] =	sst s7  }
0x10: {  	[smem:$0x3FAB] =	sst s8  }
0x11: {  	[smem:$0x3FAC] =	sst s9;
	s0 =	simm.s32 @!p0 $0x0  }
0x12: {  	s1 =	sld [smem:$0x3F92];
	s0 =	simm.s32 @p0 $0x1  }
0x13: {  	[smem:$0x3FAD] =	sst s0;
	s0 =	simm.s32 @!p1 $0x0  }
0x14: {  	s2 =	sld [smem:$0x3F91];
	s0 =	simm.s32 @p1 $0x1  }
0x15: {  	[smem:$0x3FAE] =	sst s0;
	s0 =	simm.s32 @!p2 $0x0  }
0x16: {  	s3 =	sld [smem:$0x3FDB];
	s0 =	simm.s32 @p2 $0x1  }
0x17: {  	s4 =	simm.s32 $0x1BF5;
	[smem:$0x3FB0] =	sst s0  }
0x18: {  	s0 =	sld [smem:$0x3F93];
	_ =	swait.ge [sflag:s4], $0x0  }
0x19: {  	s7 =	sld [smem:$0x3F94]  }
0x1a: {  	s8 =	sadd.s32 $0xFFFFE003, lr  }
0x1b: {  	s9 =	sadd.s32 $0xFFFFFEF7, lr;
	s5 =	simm.s32 $0xFFFFFFFF;
	p2 =	slt.u32 s8, $0xFFFFF086  }
0x1c: {  	p1 =	slt.u32 s9, $0xF7A;
	s5 =	simm.s32 @!p2 $0x0  }
0x1d: {  	s5 =	simm.s32 @p1 $0x1;
	p0 =	seq.s32 s7, s2  }
0x1e: {  	s7 =	smul.u32 @!p0 $0xF7A, s2;
	p2 =	seq.s32 @!p0 s5, $0x0  }
0x1f: {  	s9 =	smul.u32 $0xF7A, s1;
	s8 =	simm.s32 @!p0 $0x1BF5;
	p2 =	por !p2, p0  }
0x20: {  	[sflag:s8] =	ssyncset.s32 @!p0 $0xFFFFF086;
	s6 =	sadd.s32 @!p0 s3, s7;
	s7 =	simm.s32 @!p0 $0x108  }
0x21: {  	s3 =	sadd.s32 s3, s9;
	s6 =	sadd.s32 @!p0 $0x88, s6;
	s7 =	simm.s32 @p2 $0x1082  }
0x22: {  	[simem:s7], [sflag:s8] =	dma.local @!p0 [hbm:s6], $0xF7A  }
0x23: {  	s9 =	sor.u32 $0xD0000000, s2;
	s6 =	simm.s32 $0x108;
	_ =	swait.ge @!p0 [sflag:s8], $0x0  }
0x24: {  	s3 =	sadd.s32 $0x88, s3;
	s6 =	simm.s32 @!p1 $0x1082;
	[sflag:s4] =	ssyncset.s32 $0xFFFFF086  }
0x25: {  	[simem:s6], [sflag:s4] =	dma.local [hbm:s3], $0xF7A  }
0x26: {  	[smem:$0x3F94] =	sst s1;
	(tag) =	ssettag s2;
	_ =	strace s9  }
0x27: {  	s1 =	sld [smem:$0x3FA4]  }
0x28: {  	s2 =	sld [smem:$0x3FA5]  }
0x29: {  	s4 =	sld [smem:$0x3FA7]  }
0x2a: {  	p0 =	seq.s32 s5, $0x0;
	s5 =	sld [smem:$0x3FA8]  }
0x2b: {  	s6 =	sld [smem:$0x3FA9]  }
0x2c: {  	s7 =	sld [smem:$0x3FAA]  }
0x2d: {  	s3 =	simm.s32 $0x108;
	s8 =	sld [smem:$0x3FAB]  }
0x2e: {  	s3 =	simm.s32 @!p0 $0x1082;
	s9 =	sld [smem:$0x3FAC]  }
0x2f: {  	lr =	sadd.s32 s0, s3;
	s0 =	sld [smem:$0x3FA3]  }
0x30: {  	s3 =	sld [smem:$0x3FA6]  }
0x31: {  	[smem:$0x3FAF] =	sst s10  }
0x32: {  	s10 =	sld [smem:$0x3FAD];
	_ =	sdelay $0x3  }
0x33: {  	p0 =	seq.s32 s10, $0x1;
	s10 =	sld [smem:$0x3FAF];
	_ =	sdelay $0x3  }
0x34: {  	[smem:$0x3FAF] =	sst s10  }
0x35: {  	s10 =	sld [smem:$0x3FAE];
	_ =	sdelay $0x3  }
0x36: {  	p1 =	seq.s32 s10, $0x1;
	s10 =	sld [smem:$0x3FAF];
	_ =	sdelay $0x3  }
0x37: {  	[smem:$0x3FAF] =	sst s10  }
0x38: {  	s10 =	sld [smem:$0x3FB0]  }
0x39: {  	_ = 	snop;
	(pc) =	sbr.ind lr, $3  }
0x3a: {  	_ = 	snop  }
0x3b: {  	_ = 	snop  }
0x3c: {  	p2 =	seq.s32 s10, $0x1;
	s10 =	sld [smem:$0x3FAF]  }
0x3d: {  	_ =	shalt  }
0x3e: {  	_ =	shalt  }
0x3f: {  	_ =	shalt  }
0x40: {  	_ =	shalt  }
0x41: {  	_ =	shalt  }
0x42: {  	_ =	shalt  }
0x43: {  	_ =	shalt  }
0x44: {  	_ =	shalt  }
0x45: {  	_ =	shalt  }
0x46: {  	_ =	shalt  }
0x47: {  	_ =	shalt  }
0x48: {  	_ =	shalt  }
0x49: {  	_ =	shalt  }
0x4a: {  	_ =	shalt  }
0x4b: {  	_ =	shalt  }
0x4c: {  	_ =	shalt  }
0x4d: {  	_ =	shalt  }
0x4e: {  	_ =	shalt  }
0x4f: {  	_ =	shalt  }
0x50: {  	_ =	shalt  }
0x51: {  	_ =	shalt  }
0x52: {  	_ =	shalt  }
0x53: {  	_ =	shalt  }
0x54: {  	_ =	shalt  }
0x55: {  	_ =	shalt  }
0x56: {  	_ =	shalt  }
0x57: {  	_ =	shalt  }
0x58: {  	_ =	shalt  }
0x59: {  	_ =	shalt  }
0x5a: {  	_ =	shalt  }
0x5b: {  	_ =	shalt  }
0x5c: {  	_ =	shalt  }
0x5d: {  	_ =	shalt  }
0x5e: {  	_ =	shalt  }
0x5f: {  	_ =	shalt  }
0x60: {  	_ =	shalt  }
0x61: {  	_ =	shalt  }
0x62: {  	_ =	shalt  }
0x63: {  	_ =	shalt  }
0x64: {  	_ =	shalt  }
0x65: {  	_ =	shalt  }
0x66: {  	_ =	shalt  }
0x67: {  	_ =	shalt  }
0x68: {  	_ =	shalt  }
0x69: {  	_ =	shalt  }
0x6a: {  	_ =	shalt  }
0x6b: {  	_ =	shalt  }
0x6c: {  	_ =	shalt  }
0x6d: {  	_ =	shalt  }
0x6e: {  	_ =	shalt  }
0x6f: {  	_ =	shalt  }
0x70: {  	_ =	shalt  }
0x71: {  	_ =	shalt  }
0x72: {  	_ =	shalt  }
0x73: {  	_ =	shalt  }
0x74: {  	_ =	shalt  }
0x75: {  	_ =	shalt  }
0x76: {  	_ =	shalt  }
0x77: {  	_ =	shalt  }
0x78: {  	_ =	shalt  }
0x79: {  	_ =	shalt  }
0x7a: {  	_ =	shalt  }
0x7b: {  	_ =	shalt  }
0x7c: {  	_ =	shalt  }
0x7d: {  	_ =	shalt  }
0x7e: {  	_ =	shalt  }
0x7f: {  	_ =	shalt  }
0x80: {  	_ =	shalt  }
0x81: {  	_ =	shalt  }
0x82: {  	_ =	shalt  }
0x83: {  	_ =	shalt  }
0x84: {  	_ =	shalt  }
0x85: {  	_ =	shalt  }
0x86: {  	_ =	shalt  }
0x87: {  	_ =	shalt  }
.Lfunc_end0:
.L_simem_size_0:
called_computation.1_lowered:
.L_overlay_start_0:
0x88: {  	s2 =	sld [smem:$0x3FD9]  }
0x89: {  	s3 =	sld [smem:$0x3FFE];
	_ =	sdelay $0x1  }
0x8a: {  	s1 =	srdreg.scid  }
0x8b: {  	s0 =	sand.u32 $0x1, s1  }
0x8c: {  	s16 =	sshll.u32 s0, $0xA;
	s2 =	sadd.s32 s3, s2  }
0x8d: {  	s2 =	sadd.s32 s2, s16  }
0x8e: {  	[smem:$0x3FBB] =	sst s2  }
0x8f: {  	_ = 	snop  }
0x90: {  	(tm) =	ssettm $0x1  }
0x91: {  	s17 =	sld [smem:$0x3FFB];
	_ =	sdelay $0x3  }
0x92: {  	_ =	strace s17  }
0x93: {  	s2 =	sld [smem:$0x3FFC];
	_ =	sdelay $0x3  }
0x94: {  	_ =	strace s2  }
0x95: {  	s2 =	sld [smem:$0x3FFD];
	_ =	sdelay $0x3  }
0x96: {  	_ =	strace s2  }
0x97: {  	_ =	strace $0x8FFFFFFF  }
0x98: {  	s18 =	sld [smem:$0x3FDB];
	_ =	sdelay $0x1  }
0x99: {  	s19 =	simm.s32 $_scs_section_size  }
0x9a: {  	s4 =	simm.s32 $_size__tile_overlayer_lowered;
	s5 =	simm.s32 $_tile_overlayer_lowered  }
0x9b: {  	s22 =	simm.s32 $0x1BFF;
	s21 =	sshll.u32 s5, $0x1;
	s2 =	sadd.s32 s19, s18  }
0x9c: {  	s6 =	simm.s32 $0x0;
	s20 =	sshll.u32 s4, $0x1;
	s4 =	sadd.s32 s21, s2  }
0x9d: {  	[timem:s6], [sflag:s22] =	dma.local [hbm:s4], s20  }
0x9e: {  	_ =	swait.ge [sflag:s22], s20  }
0x9f: {  	s3 =	ssub.s32 $0x0, s20;
	[sflag:s22] =	ssyncset.done $0x0  }
0xa0: {  	[sflag:s22] =	ssyncadd.s32 s3;
	_ =	sdelay $0x1  }
0xa1: {  	s23 =	simm.s32 $0x1B8B  }
0xa2: {  	_ =	swait.ge [sflag:s23], $0x1  }
0xa3: {  	[sflag:s23] =	ssyncset.done $0x0  }
0xa4: {  	s25 =	simm.s32 $0x1B8E;
	s24 =	sld [smem:$0x3FFE];
	[sflag:s23] =	ssyncadd.s32 $0xFFFFFFFF  }
0xa5: {  	s26 =	simm.s32 $execute0_lowered;
	[smem:$0x3FD2] =	sst s25  }
0xa6: {  	s4 =	sshll.u32 s26, $0x1;
	_ =	strace $0x80000049;
	[dreg:$0x1] =	wrdreg $0xFFFFFFFF  }
0xa7: {  	s28 =	simm.s32 $_size_execute0_lowered;
	s2 =	sadd.s32 s2, s4;
	[dreg:$0x0] =	wrdreg $0x0  }
0xa8: {  	s4 =	sshll.u32 s28, $0x1;
	[dreg:$0x2] =	wrdreg s2  }
0xa9: {  	[dreg:$0x3] =	wrdreg s4  }
0xaa: {  	[dreg:$0x4] =	wrdreg $0xC0  }
0xab: {  	_ =	task [dreg:s6], $0x5FFFF  }
0xac: {  	[dreg:$0x1] =	wrdreg $0xFFFFFFFF  }
0xad: {  	[dreg:$0x0] =	wrdreg $0x60  }
0xae: {  	[dreg:$0x2] =	wrdreg s24  }
0xaf: {  	[dreg:$0x3] =	wrdreg $0x90000  }
0xb0: {  	[dreg:$0x4] =	wrdreg $0x9  }
0xb1: {  	_ =	task.clear_ibuf [dreg:s6], $0x5FFFF;
	_ =	strace $0x90000049  }
0xb2: {  	s29 =	simm.s32 $0x9;
	_ =	strace $0x8000004B  }
0xb3: {  	_ =	swait.ge [sflag:s29], $0x1  }
0xb4: {  	[sflag:s29] =	ssyncadd.s32 $0xFFFFFFFF  }
0xb5: {  	_ =	strace $0x9000004B  }
0xb6: {  	_ =	sfence  }
0xb7: {  	s30 =	sld [smem:$0x0];
	_ =	sdelay $0x2  }
0xb8: {  	s31 =	sshll.u32 s1, $0xD;
	s1 =	sshrl.u32 s1, $0x2  }
0xb9: {  	s3 =	sand.u32 $0x4000, s31;
	s1 =	sadd.s32 s1, s30  }
0xba: {  	s0 =	sor.u32 s3, s0;
	s1 =	sshll.u32 s1, $0x11  }
0xbb: {  	s0 =	sor.u32 s1, s0  }
0xbc: {  	s0 =	sadd.s32 $0x8F2B, s0  }
0xbd: {  	[sflag:s0] =	ssyncadd.remote.s32 $0x1  }
0xbe: {  	_ =	sfence.sel $0xFFFF  }
0xbf: {  	[dreg:$0x0] =	wrdreg $0xFFFFFFFF;
	(pc) =	sbr.abs _section_cstart, $3  }
0xc0: {  	[dreg:$0x1] =	wrdreg $0xFFFFFFFF  }
0xc1: {  	_ =	task.clear_ibuf [dreg:s6], $0x2FFFF;
	_ =	strace $0x9FFFFFFF  }
0xc2: {  	(tm) =	ssettm $0x7FFFFFFF  }
0xc3: {  	_ =	shalt  }
tec
execute0_lowered:
.L_overlay_start_1:
0x0: {  	(tag) =	ssettag $0x1  }
0x1: {  	s0 =	srdreg.scid;
	s1 =	rddreg [dreg:$0x0]  }
0x2: {  	s10 =	stileid.u32;
	s2 =	rddreg [dreg:$0x1]  }
0x3: {  	s3 =	simm.s32 $0x0;
	s15 =	simm.s32 $0x100;
	s16 =	simm.s32 $0x880  }
0x4: {  	s17 =	simm.s32 $0x180;
	s18 =	simm.s32 $0x900;
	s19 =	simm.s32 $0x200  }
0x5: {  	s20 =	simm.s32 $0x980;
	s21 =	simm.s32 $0x280;
	[smem:$0x7FF] =	sst s3  }
0x6: {  	s22 =	simm.s32 $0xA00;
	_ =	strace $0x8000004A;
	[dreg:$0x5] =	wrdreg s15  }
0x7: {  	s23 =	simm.s32 $0x300;
	s28 =	simm.s32 $0xD00;
	[dreg:$0x6] =	wrdreg s16  }
0x8: {  	s29 =	simm.s32 $0x600;
	s5 =	smul.u32 $0x5000, s10;
	[dreg:$0x7] =	wrdreg s17  }
0x9: {  	s30 =	simm.s32 $0xD80;
	s8 =	smul.u32 $0x13C00, s10;
	[dreg:$0x8] =	wrdreg s18  }
0xa: {  	s31 =	simm.s32 $0x680;
	s25 =	smul.u32 $0x4F000, s10;
	[dreg:$0x9] =	wrdreg s19  }
0xb: {  	s0 =	sand.u32 $0x1, s0;
	s9 =	smul.u32 $0x2780, s10;
	[dreg:$0xa] =	wrdreg s20  }
0xc: {  	s4 =	sadd.s32 $0x16E00, s1;
	s6 =	smul.u32 $0x2800, s0;
	[dreg:$0xb] =	wrdreg s21  }
0xd: {  	p0 =	seq.s32 s10, $0xF;
	s7 =	smul.u32 $0x13C000, s0;
	[dreg:$0xc] =	wrdreg s22  }
0xe: {  	s0 =	ssub.s32 $0x2, s0;
	s15 =	simm.s32 $0x80;
	[dreg:$0xd] =	wrdreg s23  }
0xf: {  	s16 =	simm.s32 $0x1000;
	s17 =	simm.s32 $0x5000;
	s18 =	simm.s32 $0x1  }
0x10: {  	s19 =	simm.s32 $0x2;
	s20 =	simm.s32 $0x400;
	s21 =	simm.s32 $0xB80  }
0x11: {  	s22 =	simm.s32 $0x480;
	s23 =	simm.s32 $0xC00;
	s26 =	sshrl.u32 s0, $0x1  }
0x12: {  	s9 =	sadd.s32 s4, s9;
	s5 =	sadd.s32 s6, s5;
	s24 =	sadd.s32 s8, s7  }
0x13: {  	s7 =	sshrl.u32 s25, $0x2;
	s0 =	ssub.s32 s0, s26;
	[dreg:$0x12] =	wrdreg s9  }
0x14: {  	s25 =	simm.s32 $0x380;
	s26 =	simm.s32 $0xB00;
	s8 =	simm.s32 $0xF00  }
0x15: {  	s9 =	simm.s32 $0xF80;
	s5 =	sshrl.u32 s5, $0x3;
	s6 =	sshrl.u32 s24, $0x3  }
0x16: {  	s11 =	sadd.s32 s7, s2;
	s7 =	sadd.s32 $0x128400, s2;
	[dreg:$0xf] =	wrdreg s25  }
0x17: {  	s0 =	smax.u32 s0, $0x1;
	s24 =	simm.s32 $0xA80;
	[dreg:$0x10] =	wrdreg s26  }
0x18: {  	s25 =	simm.s32 $0xC80;
	s26 =	simm.s32 $0x580;
	[dreg:$0x15] =	wrdreg s0  }
0x19: {  	s5 =	sadd.s32 s5, s1;
	s6 =	sadd.s32 s6, s1;
	[dreg:$0x11] =	wrdreg s11  }
0x1a: {  	s1 =	sadd.s32 $0x3BE80, s1;
	[dreg:$0xe] =	wrdreg s24;
	s24 =	simm.s32 $0x500  }
0x1b: {  	s0 =	simm.s32 $0x700;
	s12 =	sadd.s32 $0x2E00, s5;
	[dreg:$0x13] =	wrdreg s1  }
0x1c: {  	s13 =	sadd.s32 $0xCE00, s5;
	s14 =	sadd.s32 $0x8DE00, s6;
	[dreg:$0x3] =	wrdreg s12  }
0x1d: {  	s1 =	sshrl.u32 @p0 s7, $0x3;
	s6 =	simm.s32 $0xE80;
	[dreg:$0x14] =	wrdreg s14  }
0x1e: {  	s7 =	simm.s32 $0x780;
	[dreg:$0x16] =	wrdreg s1;
	s1 =	sshll.u32 @!p0 s10, $0x6  }
0x1f: {  	[dreg:$0x4] =	wrdreg s13;
	s13 =	simm.s32 $0x3;
	s1 =	sor.u32 @!p0 $0x1C03, s1  }
0x20: {  	s14 =	simm.s32 $0x800;
	[dreg:$0x17] =	wrdreg s1;
	s1 =	sshrl.u32 @!p0 s11, $0x3  }
0x21: {  	s10 =	simm.s32 $0x0;
	[dreg:$0x18] =	wrdreg s1;
	s1 =	simm.s32 $0xE00  }
.LBB2_1:
0x22: {  	[dreg:$0x19] =	wrdreg s10  }
0x23: {  	s10 =	rddreg [dreg:$0x13]  }
0x24: {  	s5 =	simm.s32 @p0 $0x1FC3;
	s11 =	rddreg [dreg:$0x16]  }
0x25: {  	[spmem:s11], [sflag:s5] =	dma.local @p0 [hbm:s10], $0x2080  }
0x26: {  	s5 =	simm.s32 @p0 $0x3  }
0x27: {  	_ =	swait.ge @p0 [sflag:s5], $0x2080  }
0x28: {  	s10 =	rddreg [dreg:$0x17]  }
0x29: {  	[sflag:s5] =	ssyncset.done @p0 $0x0;
	s11 =	rddreg [dreg:$0x18]  }
0x2a: {  	[sflag:s5] =	ssyncadd.s32 @p0 $0xFFFFDF80;
	s5 =	rddreg [dreg:$0x12]  }
0x2b: {  	[spmem:s11], [sflag:s10] =	dma.local @!p0 [hbm:s5], $0x2780  }
0x2c: {  	s5 =	simm.s32 @!p0 $0x3  }
0x2d: {  	_ =	swait.ge @!p0 [sflag:s5], $0x2780  }
0x2e: {  	[sflag:s5] =	ssyncset.done @!p0 $0x0  }
0x2f: {  	[sflag:s5] =	ssyncadd.s32 @!p0 $0xFFFFD880  }
0x30: {  	[bflag:$0x0] =	sbarrier.arrive $0xFFFF  }
0x31: {  	s11 =	rddreg [dreg:$0x4]  }
0x32: {  	s5 =	sadd.s32 $0x0, s11  }
0x33: {  	[tilespmem:s3], [sflag:$0x3] =	stream.linear.gather [hbm4b:s5+s3], $0x800, $0x38;
	[tilespmem:$0x1CC00] =	vst v63  }
0x34: {  	_ =	swait.ge [sflag:s13], $0x800  }
0x35: {  	s12 =	rddreg [dreg:$0x3];
	[sflag:s13] =	ssyncset.done $0x0  }
0x36: {  	[sflag:s13] =	ssyncadd.s32 $0xFFFFF800;
	s5 =	sadd.s32 $0x0, s12  }
0x37: {  	[tilespmem:s14], [sflag:$0x3] =	stream.linear.gather [hbm4b:s5+s3], $0x800, $0x38;
	[tilespmem:$0x1CC00] =	vst v63  }
0x38: {  	_ =	swait.ge [sflag:s13], $0x800  }
0x39: {  	[sflag:s13] =	ssyncset.done $0x0  }
0x3a: {  	[sflag:s13] =	ssyncadd.s32 $0xFFFFF800  }
0x3b: {  	[tilespmem:s16], [sflag:$0x1] =	stream.indirect.gather [hbm4b:s4+s15], $0x80, s3, s15, $0xb8;
	[tilespmem:$0x1CC00] =	vst v63  }
0x3c: {  	_ = 	snop  }
0x3d: {  	[tilespmem:s17], [sflag:$0x2] =	stream.indirect.gather [hbm4b:s4+s15], $0x80, s15, s15, $0xb8;
	[tilespmem:$0x1CC00] =	vst v63  }
0x3e: {  	_ =	swait.ge [sflag:s18], $0x4000  }
0x3f: {  	[sflag:s18] =	ssyncset.done $0x0  }
0x40: {  	[sflag:s18] =	ssyncadd.s32 $0xFFFFC000  }
0x41: {  	[spmem:s2] =	stream.indirect.scatter.add.f32 [tilespmem:s16], [sflag:$0x3], $0x80, s14, s15, $0xb8;
	[tilespmem:$0x1CC00] =	vst v63  }
0x42: {  	_ =	swait.ge [sflag:s13], $0x4000  }
0x43: {  	[sflag:s13] =	ssyncset.done $0x0  }
0x44: {  	s10 =	rddreg [dreg:$0x5];
	[sflag:s13] =	ssyncadd.s32 $0xFFFFC000  }
0x45: {  	[tilespmem:s16], [sflag:$0x1] =	stream.indirect.gather [hbm4b:s4+s15], $0x80, s10, s15, $0xb8;
	[tilespmem:$0x1CC00] =	vst v63  }
0x46: {  	_ =	swait.ge [sflag:s19], $0x4000  }
0x47: {  	[sflag:s19] =	ssyncset.done $0x0  }
0x48: {  	s11 =	rddreg [dreg:$0x6];
	[sflag:s19] =	ssyncadd.s32 $0xFFFFC000  }
0x49: {  	[spmem:s2] =	stream.indirect.scatter.add.f32 [tilespmem:s17], [sflag:$0x3], $0x80, s11, s15, $0xb8;
	[tilespmem:$0x1CC00] =	vst v63  }
0x4a: {  	_ =	swait.ge [sflag:s13], $0x4000  }
0x4b: {  	[sflag:s13] =	ssyncset.done $0x0  }
0x4c: {  	s12 =	rddreg [dreg:$0x7];
	[sflag:s13] =	ssyncadd.s32 $0xFFFFC000  }
0x4d: {  	[tilespmem:s17], [sflag:$0x2] =	stream.indirect.gather [hbm4b:s4+s15], $0x80, s12, s15, $0xb8;
	[tilespmem:$0x1CC00] =	vst v63  }
0x4e: {  	_ =	swait.ge [sflag:s18], $0x4000  }
0x4f: {  	[sflag:s18] =	ssyncset.done $0x0  }
0x50: {  	s10 =	rddreg [dreg:$0x8];
	[sflag:s18] =	ssyncadd.s32 $0xFFFFC000  }
0x51: {  	[spmem:s2] =	stream.indirect.scatter.add.f32 [tilespmem:s16], [sflag:$0x3], $0x80, s10, s15, $0xb8;
	[tilespmem:$0x1CC00] =	vst v63  }
0x52: {  	_ =	swait.ge [sflag:s13], $0x4000  }
0x53: {  	[sflag:s13] =	ssyncset.done $0x0  }
0x54: {  	s11 =	rddreg [dreg:$0x9];
	[sflag:s13] =	ssyncadd.s32 $0xFFFFC000  }
0x55: {  	[tilespmem:s16], [sflag:$0x1] =	stream.indirect.gather [hbm4b:s4+s15], $0x80, s11, s15, $0xb8;
	[tilespmem:$0x1CC00] =	vst v63  }
0x56: {  	_ =	swait.ge [sflag:s19], $0x4000  }
0x57: {  	[sflag:s19] =	ssyncset.done $0x0  }
0x58: {  	s12 =	rddreg [dreg:$0xa];
	[sflag:s19] =	ssyncadd.s32 $0xFFFFC000  }
0x59: {  	[spmem:s2] =	stream.indirect.scatter.add.f32 [tilespmem:s17], [sflag:$0x3], $0x80, s12, s15, $0xb8;
	[tilespmem:$0x1CC00] =	vst v63  }
0x5a: {  	_ =	swait.ge [sflag:s13], $0x4000  }
0x5b: {  	[sflag:s13] =	ssyncset.done $0x0  }
0x5c: {  	s10 =	rddreg [dreg:$0xb];
	[sflag:s13] =	ssyncadd.s32 $0xFFFFC000  }
0x5d: {  	[tilespmem:s17], [sflag:$0x2] =	stream.indirect.gather [hbm4b:s4+s15], $0x80, s10, s15, $0xb8;
	[tilespmem:$0x1CC00] =	vst v63  }
0x5e: {  	_ =	swait.ge [sflag:s18], $0x4000  }
0x5f: {  	[sflag:s18] =	ssyncset.done $0x0  }
0x60: {  	s11 =	rddreg [dreg:$0xc];
	[sflag:s18] =	ssyncadd.s32 $0xFFFFC000  }
0x61: {  	[spmem:s2] =	stream.indirect.scatter.add.f32 [tilespmem:s16], [sflag:$0x3], $0x80, s11, s15, $0xb8;
	[tilespmem:$0x1CC00] =	vst v63  }
0x62: {  	_ =	swait.ge [sflag:s13], $0x4000  }
0x63: {  	[sflag:s13] =	ssyncset.done $0x0  }
0x64: {  	s12 =	rddreg [dreg:$0xd];
	[sflag:s13] =	ssyncadd.s32 $0xFFFFC000  }
0x65: {  	[tilespmem:s16], [sflag:$0x1] =	stream.indirect.gather [hbm4b:s4+s15], $0x80, s12, s15, $0xb8;
	[tilespmem:$0x1CC00] =	vst v63  }
0x66: {  	_ =	swait.ge [sflag:s19], $0x4000  }
0x67: {  	[sflag:s19] =	ssyncset.done $0x0  }
0x68: {  	s10 =	rddreg [dreg:$0xe];
	[sflag:s19] =	ssyncadd.s32 $0xFFFFC000  }
0x69: {  	[spmem:s2] =	stream.indirect.scatter.add.f32 [tilespmem:s17], [sflag:$0x3], $0x80, s10, s15, $0xb8;
	[tilespmem:$0x1CC00] =	vst v63  }
0x6a: {  	_ =	swait.ge [sflag:s13], $0x4000  }
0x6b: {  	[sflag:s13] =	ssyncset.done $0x0  }
0x6c: {  	s11 =	rddreg [dreg:$0xf];
	[sflag:s13] =	ssyncadd.s32 $0xFFFFC000  }
0x6d: {  	[tilespmem:s17], [sflag:$0x2] =	stream.indirect.gather [hbm4b:s4+s15], $0x80, s11, s15, $0xb8;
	[tilespmem:$0x1CC00] =	vst v63  }
0x6e: {  	_ =	swait.ge [sflag:s18], $0x4000  }
0x6f: {  	[sflag:s18] =	ssyncset.done $0x0  }
0x70: {  	s12 =	rddreg [dreg:$0x10];
	[sflag:s18] =	ssyncadd.s32 $0xFFFFC000  }
0x71: {  	[spmem:s2] =	stream.indirect.scatter.add.f32 [tilespmem:s16], [sflag:$0x3], $0x80, s12, s15, $0xb8;
	[tilespmem:$0x1CC00] =	vst v63  }
0x72: {  	_ =	swait.ge [sflag:s13], $0x4000  }
0x73: {  	[sflag:s13] =	ssyncset.done $0x0  }
0x74: {  	[sflag:s13] =	ssyncadd.s32 $0xFFFFC000  }
0x75: {  	[tilespmem:s16], [sflag:$0x1] =	stream.indirect.gather [hbm4b:s4+s15], $0x80, s20, s15, $0xb8;
	[tilespmem:$0x1CC00] =	vst v63  }
0x76: {  	_ =	swait.ge [sflag:s19], $0x4000  }
0x77: {  	[sflag:s19] =	ssyncset.done $0x0  }
0x78: {  	[sflag:s19] =	ssyncadd.s32 $0xFFFFC000  }
0x79: {  	[spmem:s2] =	stream.indirect.scatter.add.f32 [tilespmem:s17], [sflag:$0x3], $0x80, s21, s15, $0xb8;
	[tilespmem:$0x1CC00] =	vst v63  }
0x7a: {  	_ =	swait.ge [sflag:s13], $0x4000  }
0x7b: {  	[sflag:s13] =	ssyncset.done $0x0  }
0x7c: {  	[sflag:s13] =	ssyncadd.s32 $0xFFFFC000  }
0x7d: {  	[tilespmem:s17], [sflag:$0x2] =	stream.indirect.gather [hbm4b:s4+s15], $0x80, s22, s15, $0xb8;
	[tilespmem:$0x1CC00] =	vst v63  }
0x7e: {  	_ =	swait.ge [sflag:s18], $0x4000  }
0x7f: {  	[sflag:s18] =	ssyncset.done $0x0  }
0x80: {  	[sflag:s18] =	ssyncadd.s32 $0xFFFFC000  }
0x81: {  	[spmem:s2] =	stream.indirect.scatter.add.f32 [tilespmem:s16], [sflag:$0x3], $0x80, s23, s15, $0xb8;
	[tilespmem:$0x1CC00] =	vst v63  }
0x82: {  	_ =	swait.ge [sflag:s13], $0x4000  }
0x83: {  	[sflag:s13] =	ssyncset.done $0x0  }
0x84: {  	[sflag:s13] =	ssyncadd.s32 $0xFFFFC000  }
0x85: {  	[tilespmem:s16], [sflag:$0x1] =	stream.indirect.gather [hbm4b:s4+s15], $0x80, s24, s15, $0xb8;
	[tilespmem:$0x1CC00] =	vst v63  }
0x86: {  	_ =	swait.ge [sflag:s19], $0x4000  }
0x87: {  	[sflag:s19] =	ssyncset.done $0x0  }
0x88: {  	[sflag:s19] =	ssyncadd.s32 $0xFFFFC000  }
0x89: {  	[spmem:s2] =	stream.indirect.scatter.add.f32 [tilespmem:s17], [sflag:$0x3], $0x80, s25, s15, $0xb8;
	[tilespmem:$0x1CC00] =	vst v63  }
0x8a: {  	_ =	swait.ge [sflag:s13], $0x4000  }
0x8b: {  	[sflag:s13] =	ssyncset.done $0x0  }
0x8c: {  	[sflag:s13] =	ssyncadd.s32 $0xFFFFC000  }
0x8d: {  	[tilespmem:s17], [sflag:$0x2] =	stream.indirect.gather [hbm4b:s4+s15], $0x80, s26, s15, $0xb8;
	[tilespmem:$0x1CC00] =	vst v63  }
0x8e: {  	_ =	swait.ge [sflag:s18], $0x4000  }
0x8f: {  	[sflag:s18] =	ssyncset.done $0x0  }
0x90: {  	[sflag:s18] =	ssyncadd.s32 $0xFFFFC000  }
0x91: {  	[spmem:s2] =	stream.indirect.scatter.add.f32 [tilespmem:s16], [sflag:$0x3], $0x80, s28, s15, $0xb8;
	[tilespmem:$0x1CC00] =	vst v63  }
0x92: {  	_ =	swait.ge [sflag:s13], $0x4000  }
0x93: {  	[sflag:s13] =	ssyncset.done $0x0  }
0x94: {  	[sflag:s13] =	ssyncadd.s32 $0xFFFFC000  }
0x95: {  	[tilespmem:s16], [sflag:$0x1] =	stream.indirect.gather [hbm4b:s4+s15], $0x80, s29, s15, $0xb8;
	[tilespmem:$0x1CC00] =	vst v63  }
0x96: {  	_ =	swait.ge [sflag:s19], $0x4000  }
0x97: {  	[sflag:s19] =	ssyncset.done $0x0  }
0x98: {  	[sflag:s19] =	ssyncadd.s32 $0xFFFFC000  }
0x99: {  	[spmem:s2] =	stream.indirect.scatter.add.f32 [tilespmem:s17], [sflag:$0x3], $0x80, s30, s15, $0xb8;
	[tilespmem:$0x1CC00] =	vst v63  }
0x9a: {  	_ =	swait.ge [sflag:s13], $0x4000  }
0x9b: {  	[sflag:s13] =	ssyncset.done $0x0  }
0x9c: {  	[sflag:s13] =	ssyncadd.s32 $0xFFFFC000  }
0x9d: {  	[tilespmem:s17], [sflag:$0x2] =	stream.indirect.gather [hbm4b:s4+s15], $0x80, s31, s15, $0xb8;
	[tilespmem:$0x1CC00] =	vst v63  }
0x9e: {  	_ =	swait.ge [sflag:s18], $0x4000  }
0x9f: {  	[sflag:s18] =	ssyncset.done $0x0  }
0xa0: {  	[sflag:s18] =	ssyncadd.s32 $0xFFFFC000  }
0xa1: {  	[spmem:s2] =	stream.indirect.scatter.add.f32 [tilespmem:s16], [sflag:$0x3], $0x80, s1, s15, $0xb8;
	[tilespmem:$0x1CC00] =	vst v63  }
0xa2: {  	_ =	swait.ge [sflag:s13], $0x4000  }
0xa3: {  	[sflag:s13] =	ssyncset.done $0x0  }
0xa4: {  	[sflag:s13] =	ssyncadd.s32 $0xFFFFC000  }
0xa5: {  	[tilespmem:s16], [sflag:$0x1] =	stream.indirect.gather [hbm4b:s4+s15], $0x80, s0, s15, $0xb8;
	[tilespmem:$0x1CC00] =	vst v63  }
0xa6: {  	_ =	swait.ge [sflag:s19], $0x4000  }
0xa7: {  	[sflag:s19] =	ssyncset.done $0x0  }
0xa8: {  	[sflag:s19] =	ssyncadd.s32 $0xFFFFC000  }
0xa9: {  	[spmem:s2] =	stream.indirect.scatter.add.f32 [tilespmem:s17], [sflag:$0x3], $0x80, s6, s15, $0xb8;
	[tilespmem:$0x1CC00] =	vst v63  }
0xaa: {  	_ =	swait.ge [sflag:s13], $0x4000  }
0xab: {  	[sflag:s13] =	ssyncset.done $0x0  }
0xac: {  	[sflag:s13] =	ssyncadd.s32 $0xFFFFC000  }
0xad: {  	[tilespmem:s17], [sflag:$0x2] =	stream.indirect.gather [hbm4b:s4+s15], $0x80, s7, s15, $0xb8;
	[tilespmem:$0x1CC00] =	vst v63  }
0xae: {  	_ =	swait.ge [sflag:s18], $0x4000  }
0xaf: {  	[sflag:s18] =	ssyncset.done $0x0  }
0xb0: {  	[sflag:s18] =	ssyncadd.s32 $0xFFFFC000  }
0xb1: {  	[spmem:s2] =	stream.indirect.scatter.add.f32 [tilespmem:s16], [sflag:$0x3], $0x80, s8, s15, $0xb8;
	[tilespmem:$0x1CC00] =	vst v63  }
0xb2: {  	_ =	swait.ge [sflag:s13], $0x4000  }
0xb3: {  	[sflag:s13] =	ssyncset.done $0x0  }
0xb4: {  	[sflag:s13] =	ssyncadd.s32 $0xFFFFC000  }
0xb5: {  	_ =	swait.ge [sflag:s19], $0x4000  }
0xb6: {  	[sflag:s19] =	ssyncset.done $0x0  }
0xb7: {  	[sflag:s19] =	ssyncadd.s32 $0xFFFFC000  }
0xb8: {  	[spmem:s2] =	stream.indirect.scatter.add.f32 [tilespmem:s17], [sflag:$0x3], $0x80, s9, s15, $0xb8;
	[tilespmem:$0x1CC00] =	vst v63  }
0xb9: {  	s5 =	simm.s32 $0x100;
	_ =	swait.ge [sflag:s13], $0x4000  }
0xba: {  	s11 =	simm.s32 $0x200;
	s12 =	rddreg [dreg:$0x4];
	[sflag:s13] =	ssyncset.done $0x0  }
.LBB2_2:
0xbb: {  	[sflag:s13] =	ssyncadd.s32 $0xFFFFC000;
	s12 =	sadd.s32 s5, s12  }
0xbc: {  	[tilespmem:s3], [sflag:$0x3] =	stream.linear.gather [hbm4b:s12+s3], $0x800, $0x38;
	[tilespmem:$0x1CC00] =	vst v63  }
0xbd: {  	_ =	swait.ge [sflag:s13], $0x800  }
0xbe: {  	s12 =	rddreg [dreg:$0x3];
	[sflag:s13] =	ssyncset.done $0x0  }
0xbf: {  	[sflag:s13] =	ssyncadd.s32 $0xFFFFF800;
	s12 =	sadd.s32 s5, s12  }
0xc0: {  	[tilespmem:s14], [sflag:$0x3] =	stream.linear.gather [hbm4b:s12+s3], $0x800, $0x38;
	[tilespmem:$0x1CC00] =	vst v63  }
0xc1: {  	_ =	swait.ge [sflag:s13], $0x800  }
0xc2: {  	[sflag:s13] =	ssyncset.done $0x0  }
0xc3: {  	[sflag:s13] =	ssyncadd.s32 $0xFFFFF800  }
0xc4: {  	[tilespmem:s16], [sflag:$0x1] =	stream.indirect.gather [hbm4b:s4+s15], $0x80, s3, s15, $0xb8;
	[tilespmem:$0x1CC00] =	vst v63  }
0xc5: {  	_ = 	snop  }
0xc6: {  	[tilespmem:s17], [sflag:$0x2] =	stream.indirect.gather [hbm4b:s4+s15], $0x80, s15, s15, $0xb8;
	[tilespmem:$0x1CC00] =	vst v63  }
0xc7: {  	_ =	swait.ge [sflag:s18], $0x4000  }
0xc8: {  	[sflag:s18] =	ssyncset.done $0x0  }
0xc9: {  	[sflag:s18] =	ssyncadd.s32 $0xFFFFC000  }
0xca: {  	[spmem:s2] =	stream.indirect.scatter.add.f32 [tilespmem:s16], [sflag:$0x3], $0x80, s14, s15, $0xb8;
	[tilespmem:$0x1CC00] =	vst v63  }
0xcb: {  	_ =	swait.ge [sflag:s13], $0x4000  }
0xcc: {  	[sflag:s13] =	ssyncset.done $0x0  }
0xcd: {  	s12 =	rddreg [dreg:$0x5];
	[sflag:s13] =	ssyncadd.s32 $0xFFFFC000  }
0xce: {  	[tilespmem:s16], [sflag:$0x1] =	stream.indirect.gather [hbm4b:s4+s15], $0x80, s12, s15, $0xb8;
	[tilespmem:$0x1CC00] =	vst v63  }
0xcf: {  	_ =	swait.ge [sflag:s19], $0x4000  }
0xd0: {  	[sflag:s19] =	ssyncset.done $0x0  }
0xd1: {  	s12 =	rddreg [dreg:$0x6];
	[sflag:s19] =	ssyncadd.s32 $0xFFFFC000  }
0xd2: {  	[spmem:s2] =	stream.indirect.scatter.add.f32 [tilespmem:s17], [sflag:$0x3], $0x80, s12, s15, $0xb8;
	[tilespmem:$0x1CC00] =	vst v63  }
0xd3: {  	_ =	swait.ge [sflag:s13], $0x4000  }
0xd4: {  	[sflag:s13] =	ssyncset.done $0x0  }
0xd5: {  	s12 =	rddreg [dreg:$0x7];
	[sflag:s13] =	ssyncadd.s32 $0xFFFFC000  }
0xd6: {  	[tilespmem:s17], [sflag:$0x2] =	stream.indirect.gather [hbm4b:s4+s15], $0x80, s12, s15, $0xb8;
	[tilespmem:$0x1CC00] =	vst v63  }
0xd7: {  	_ =	swait.ge [sflag:s18], $0x4000  }
0xd8: {  	[sflag:s18] =	ssyncset.done $0x0  }
0xd9: {  	s12 =	rddreg [dreg:$0x8];
	[sflag:s18] =	ssyncadd.s32 $0xFFFFC000  }
0xda: {  	[spmem:s2] =	stream.indirect.scatter.add.f32 [tilespmem:s16], [sflag:$0x3], $0x80, s12, s15, $0xb8;
	[tilespmem:$0x1CC00] =	vst v63  }
0xdb: {  	_ =	swait.ge [sflag:s13], $0x4000  }
0xdc: {  	[sflag:s13] =	ssyncset.done $0x0  }
0xdd: {  	s12 =	rddreg [dreg:$0x9];
	[sflag:s13] =	ssyncadd.s32 $0xFFFFC000  }
0xde: {  	[tilespmem:s16], [sflag:$0x1] =	stream.indirect.gather [hbm4b:s4+s15], $0x80, s12, s15, $0xb8;
	[tilespmem:$0x1CC00] =	vst v63  }
0xdf: {  	_ =	swait.ge [sflag:s19], $0x4000  }
0xe0: {  	[sflag:s19] =	ssyncset.done $0x0  }
0xe1: {  	s12 =	rddreg [dreg:$0xa];
	[sflag:s19] =	ssyncadd.s32 $0xFFFFC000  }
0xe2: {  	[spmem:s2] =	stream.indirect.scatter.add.f32 [tilespmem:s17], [sflag:$0x3], $0x80, s12, s15, $0xb8;
	[tilespmem:$0x1CC00] =	vst v63  }
0xe3: {  	_ =	swait.ge [sflag:s13], $0x4000  }
0xe4: {  	[sflag:s13] =	ssyncset.done $0x0  }
0xe5: {  	s12 =	rddreg [dreg:$0xb];
	[sflag:s13] =	ssyncadd.s32 $0xFFFFC000  }
0xe6: {  	[tilespmem:s17], [sflag:$0x2] =	stream.indirect.gather [hbm4b:s4+s15], $0x80, s12, s15, $0xb8;
	[tilespmem:$0x1CC00] =	vst v63  }
0xe7: {  	_ =	swait.ge [sflag:s18], $0x4000  }
0xe8: {  	[sflag:s18] =	ssyncset.done $0x0  }
0xe9: {  	s12 =	rddreg [dreg:$0xc];
	[sflag:s18] =	ssyncadd.s32 $0xFFFFC000  }
0xea: {  	[spmem:s2] =	stream.indirect.scatter.add.f32 [tilespmem:s16], [sflag:$0x3], $0x80, s12, s15, $0xb8;
	[tilespmem:$0x1CC00] =	vst v63  }
0xeb: {  	_ =	swait.ge [sflag:s13], $0x4000  }
0xec: {  	[sflag:s13] =	ssyncset.done $0x0  }
0xed: {  	s12 =	rddreg [dreg:$0xd];
	[sflag:s13] =	ssyncadd.s32 $0xFFFFC000  }
0xee: {  	[tilespmem:s16], [sflag:$0x1] =	stream.indirect.gather [hbm4b:s4+s15], $0x80, s12, s15, $0xb8;
	[tilespmem:$0x1CC00] =	vst v63  }
0xef: {  	_ =	swait.ge [sflag:s19], $0x4000  }
0xf0: {  	[sflag:s19] =	ssyncset.done $0x0  }
0xf1: {  	s12 =	rddreg [dreg:$0xe];
	[sflag:s19] =	ssyncadd.s32 $0xFFFFC000  }
0xf2: {  	[spmem:s2] =	stream.indirect.scatter.add.f32 [tilespmem:s17], [sflag:$0x3], $0x80, s12, s15, $0xb8;
	[tilespmem:$0x1CC00] =	vst v63  }
0xf3: {  	_ =	swait.ge [sflag:s13], $0x4000  }
0xf4: {  	[sflag:s13] =	ssyncset.done $0x0  }
0xf5: {  	s12 =	rddreg [dreg:$0xf];
	[sflag:s13] =	ssyncadd.s32 $0xFFFFC000  }
0xf6: {  	[tilespmem:s17], [sflag:$0x2] =	stream.indirect.gather [hbm4b:s4+s15], $0x80, s12, s15, $0xb8;
	[tilespmem:$0x1CC00] =	vst v63  }
0xf7: {  	_ =	swait.ge [sflag:s18], $0x4000  }
0xf8: {  	[sflag:s18] =	ssyncset.done $0x0  }
0xf9: {  	s12 =	rddreg [dreg:$0x10];
	[sflag:s18] =	ssyncadd.s32 $0xFFFFC000  }
0xfa: {  	[spmem:s2] =	stream.indirect.scatter.add.f32 [tilespmem:s16], [sflag:$0x3], $0x80, s12, s15, $0xb8;
	[tilespmem:$0x1CC00] =	vst v63  }
0xfb: {  	_ =	swait.ge [sflag:s13], $0x4000  }
0xfc: {  	[sflag:s13] =	ssyncset.done $0x0  }
0xfd: {  	[sflag:s13] =	ssyncadd.s32 $0xFFFFC000  }
0xfe: {  	[tilespmem:s16], [sflag:$0x1] =	stream.indirect.gather [hbm4b:s4+s15], $0x80, s20, s15, $0xb8;
	[tilespmem:$0x1CC00] =	vst v63  }
0xff: {  	_ =	swait.ge [sflag:s19], $0x4000  }
0x100: {  	[sflag:s19] =	ssyncset.done $0x0  }
0x101: {  	[sflag:s19] =	ssyncadd.s32 $0xFFFFC000  }
0x102: {  	[spmem:s2] =	stream.indirect.scatter.add.f32 [tilespmem:s17], [sflag:$0x3], $0x80, s21, s15, $0xb8;
	[tilespmem:$0x1CC00] =	vst v63  }
0x103: {  	_ =	swait.ge [sflag:s13], $0x4000  }
0x104: {  	[sflag:s13] =	ssyncset.done $0x0  }
0x105: {  	[sflag:s13] =	ssyncadd.s32 $0xFFFFC000  }
0x106: {  	[tilespmem:s17], [sflag:$0x2] =	stream.indirect.gather [hbm4b:s4+s15], $0x80, s22, s15, $0xb8;
	[tilespmem:$0x1CC00] =	vst v63  }
0x107: {  	_ =	swait.ge [sflag:s18], $0x4000  }
0x108: {  	[sflag:s18] =	ssyncset.done $0x0  }
0x109: {  	[sflag:s18] =	ssyncadd.s32 $0xFFFFC000  }
0x10a: {  	[spmem:s2] =	stream.indirect.scatter.add.f32 [tilespmem:s16], [sflag:$0x3], $0x80, s23, s15, $0xb8;
	[tilespmem:$0x1CC00] =	vst v63  }
0x10b: {  	_ =	swait.ge [sflag:s13], $0x4000  }
0x10c: {  	[sflag:s13] =	ssyncset.done $0x0  }
0x10d: {  	[sflag:s13] =	ssyncadd.s32 $0xFFFFC000  }
0x10e: {  	[tilespmem:s16], [sflag:$0x1] =	stream.indirect.gather [hbm4b:s4+s15], $0x80, s24, s15, $0xb8;
	[tilespmem:$0x1CC00] =	vst v63  }
0x10f: {  	_ =	swait.ge [sflag:s19], $0x4000  }
0x110: {  	[sflag:s19] =	ssyncset.done $0x0  }
0x111: {  	[sflag:s19] =	ssyncadd.s32 $0xFFFFC000  }
0x112: {  	[spmem:s2] =	stream.indirect.scatter.add.f32 [tilespmem:s17], [sflag:$0x3], $0x80, s25, s15, $0xb8;
	[tilespmem:$0x1CC00] =	vst v63  }
0x113: {  	_ =	swait.ge [sflag:s13], $0x4000  }
0x114: {  	[sflag:s13] =	ssyncset.done $0x0  }
0x115: {  	[sflag:s13] =	ssyncadd.s32 $0xFFFFC000  }
0x116: {  	[tilespmem:s17], [sflag:$0x2] =	stream.indirect.gather [hbm4b:s4+s15], $0x80, s26, s15, $0xb8;
	[tilespmem:$0x1CC00] =	vst v63  }
0x117: {  	_ =	swait.ge [sflag:s18], $0x4000  }
0x118: {  	[sflag:s18] =	ssyncset.done $0x0  }
0x119: {  	[sflag:s18] =	ssyncadd.s32 $0xFFFFC000  }
0x11a: {  	[spmem:s2] =	stream.indirect.scatter.add.f32 [tilespmem:s16], [sflag:$0x3], $0x80, s28, s15, $0xb8;
	[tilespmem:$0x1CC00] =	vst v63  }
0x11b: {  	_ =	swait.ge [sflag:s13], $0x4000  }
0x11c: {  	[sflag:s13] =	ssyncset.done $0x0  }
0x11d: {  	[sflag:s13] =	ssyncadd.s32 $0xFFFFC000  }
0x11e: {  	[tilespmem:s16], [sflag:$0x1] =	stream.indirect.gather [hbm4b:s4+s15], $0x80, s29, s15, $0xb8;
	[tilespmem:$0x1CC00] =	vst v63  }
0x11f: {  	_ =	swait.ge [sflag:s19], $0x4000  }
0x120: {  	[sflag:s19] =	ssyncset.done $0x0  }
0x121: {  	[sflag:s19] =	ssyncadd.s32 $0xFFFFC000  }
0x122: {  	[spmem:s2] =	stream.indirect.scatter.add.f32 [tilespmem:s17], [sflag:$0x3], $0x80, s30, s15, $0xb8;
	[tilespmem:$0x1CC00] =	vst v63  }
0x123: {  	_ =	swait.ge [sflag:s13], $0x4000  }
0x124: {  	[sflag:s13] =	ssyncset.done $0x0  }
0x125: {  	[sflag:s13] =	ssyncadd.s32 $0xFFFFC000  }
0x126: {  	[tilespmem:s17], [sflag:$0x2] =	stream.indirect.gather [hbm4b:s4+s15], $0x80, s31, s15, $0xb8;
	[tilespmem:$0x1CC00] =	vst v63  }
0x127: {  	_ =	swait.ge [sflag:s18], $0x4000  }
0x128: {  	[sflag:s18] =	ssyncset.done $0x0  }
0x129: {  	[sflag:s18] =	ssyncadd.s32 $0xFFFFC000  }
0x12a: {  	[spmem:s2] =	stream.indirect.scatter.add.f32 [tilespmem:s16], [sflag:$0x3], $0x80, s1, s15, $0xb8;
	[tilespmem:$0x1CC00] =	vst v63  }
0x12b: {  	_ =	swait.ge [sflag:s13], $0x4000  }
0x12c: {  	[sflag:s13] =	ssyncset.done $0x0  }
0x12d: {  	[sflag:s13] =	ssyncadd.s32 $0xFFFFC000  }
0x12e: {  	[tilespmem:s16], [sflag:$0x1] =	stream.indirect.gather [hbm4b:s4+s15], $0x80, s0, s15, $0xb8;
	[tilespmem:$0x1CC00] =	vst v63  }
0x12f: {  	_ =	swait.ge [sflag:s19], $0x4000  }
0x130: {  	[sflag:s19] =	ssyncset.done $0x0  }
0x131: {  	[sflag:s19] =	ssyncadd.s32 $0xFFFFC000  }
0x132: {  	[spmem:s2] =	stream.indirect.scatter.add.f32 [tilespmem:s17], [sflag:$0x3], $0x80, s6, s15, $0xb8;
	[tilespmem:$0x1CC00] =	vst v63  }
0x133: {  	_ =	swait.ge [sflag:s13], $0x4000  }
0x134: {  	[sflag:s13] =	ssyncset.done $0x0  }
0x135: {  	[sflag:s13] =	ssyncadd.s32 $0xFFFFC000  }
0x136: {  	[tilespmem:s17], [sflag:$0x2] =	stream.indirect.gather [hbm4b:s4+s15], $0x80, s7, s15, $0xb8;
	[tilespmem:$0x1CC00] =	vst v63  }
0x137: {  	_ =	swait.ge [sflag:s18], $0x4000  }
0x138: {  	[sflag:s18] =	ssyncset.done $0x0  }
0x139: {  	[sflag:s18] =	ssyncadd.s32 $0xFFFFC000  }
0x13a: {  	[spmem:s2] =	stream.indirect.scatter.add.f32 [tilespmem:s16], [sflag:$0x3], $0x80, s8, s15, $0xb8;
	[tilespmem:$0x1CC00] =	vst v63  }
0x13b: {  	_ =	swait.ge [sflag:s13], $0x4000  }
0x13c: {  	[sflag:s13] =	ssyncset.done $0x0  }
0x13d: {  	[sflag:s13] =	ssyncadd.s32 $0xFFFFC000  }
0x13e: {  	p1 =	sne.s32 s11, $0x400;
	_ =	swait.ge [sflag:s19], $0x4000  }
.Ltmp0:
0x13f: {  	[sflag:s19] =	ssyncset.done $0x0;
	(pc) =	sbr.rel @p1 .LBB2_2-.Ltmp0, $4  }
0x140: {  	[sflag:s19] =	ssyncadd.s32 $0xFFFFC000  }
0x141: {  	[spmem:s2] =	stream.indirect.scatter.add.f32 [tilespmem:s17], [sflag:$0x3], $0x80, s9, s15, $0xb8;
	[tilespmem:$0x1CC00] =	vst v63  }
0x142: {  	s10 =	smov.u32 s11;
	s11 =	sadd.s32 $0x100, s11;
	_ =	swait.ge [sflag:s13], $0x4000  }
0x143: {  	s5 =	smov.u32 s10;
	s12 =	rddreg [dreg:$0x4];
	[sflag:s13] =	ssyncset.done $0x0  }
0x144: {  	[sflag:s13] =	ssyncadd.s32 $0xFFFFC000;
	s10 =	sadd.s32 s5, s12  }
0x145: {  	[tilespmem:s3], [sflag:$0x3] =	stream.linear.gather [hbm4b:s10+s3], $0x800, $0x38;
	[tilespmem:$0x1CC00] =	vst v63  }
0x146: {  	_ =	swait.ge [sflag:s13], $0x800  }
0x147: {  	s12 =	rddreg [dreg:$0x3];
	[sflag:s13] =	ssyncset.done $0x0  }
0x148: {  	[sflag:s13] =	ssyncadd.s32 $0xFFFFF800;
	s10 =	sadd.s32 s5, s12  }
0x149: {  	[tilespmem:s14], [sflag:$0x3] =	stream.linear.gather [hbm4b:s10+s3], $0x800, $0x38;
	[tilespmem:$0x1CC00] =	vst v63  }
0x14a: {  	_ =	swait.ge [sflag:s13], $0x800  }
0x14b: {  	[sflag:s13] =	ssyncset.done $0x0  }
0x14c: {  	[sflag:s13] =	ssyncadd.s32 $0xFFFFF800  }
0x14d: {  	[tilespmem:s16], [sflag:$0x1] =	stream.indirect.gather [hbm4b:s4+s15], $0x80, s3, s15, $0xb8;
	[tilespmem:$0x1CC00] =	vst v63  }
0x14e: {  	_ = 	snop  }
0x14f: {  	[tilespmem:s17], [sflag:$0x2] =	stream.indirect.gather [hbm4b:s4+s15], $0x80, s15, s15, $0xb8;
	[tilespmem:$0x1CC00] =	vst v63  }
0x150: {  	_ =	swait.ge [sflag:s18], $0x4000  }
0x151: {  	[sflag:s18] =	ssyncset.done $0x0  }
0x152: {  	[sflag:s18] =	ssyncadd.s32 $0xFFFFC000  }
0x153: {  	[spmem:s2] =	stream.indirect.scatter.add.f32 [tilespmem:s16], [sflag:$0x3], $0x80, s14, s15, $0xb8;
	[tilespmem:$0x1CC00] =	vst v63  }
0x154: {  	_ =	swait.ge [sflag:s13], $0x4000  }
0x155: {  	[sflag:s13] =	ssyncset.done $0x0  }
0x156: {  	s11 =	rddreg [dreg:$0x5];
	[sflag:s13] =	ssyncadd.s32 $0xFFFFC000  }
0x157: {  	[tilespmem:s16], [sflag:$0x1] =	stream.indirect.gather [hbm4b:s4+s15], $0x80, s11, s15, $0xb8;
	[tilespmem:$0x1CC00] =	vst v63  }
0x158: {  	_ =	swait.ge [sflag:s19], $0x4000  }
0x159: {  	[sflag:s19] =	ssyncset.done $0x0  }
0x15a: {  	s12 =	rddreg [dreg:$0x6];
	[sflag:s19] =	ssyncadd.s32 $0xFFFFC000  }
0x15b: {  	[spmem:s2] =	stream.indirect.scatter.add.f32 [tilespmem:s17], [sflag:$0x3], $0x80, s12, s15, $0xb8;
	[tilespmem:$0x1CC00] =	vst v63  }
0x15c: {  	_ =	swait.ge [sflag:s13], $0x4000  }
0x15d: {  	[sflag:s13] =	ssyncset.done $0x0  }
0x15e: {  	s10 =	rddreg [dreg:$0x7];
	[sflag:s13] =	ssyncadd.s32 $0xFFFFC000  }
0x15f: {  	[tilespmem:s17], [sflag:$0x2] =	stream.indirect.gather [hbm4b:s4+s15], $0x80, s10, s15, $0xb8;
	[tilespmem:$0x1CC00] =	vst v63  }
0x160: {  	_ =	swait.ge [sflag:s18], $0x4000  }
0x161: {  	[sflag:s18] =	ssyncset.done $0x0  }
0x162: {  	s11 =	rddreg [dreg:$0x8];
	[sflag:s18] =	ssyncadd.s32 $0xFFFFC000  }
0x163: {  	[spmem:s2] =	stream.indirect.scatter.add.f32 [tilespmem:s16], [sflag:$0x3], $0x80, s11, s15, $0xb8;
	[tilespmem:$0x1CC00] =	vst v63  }
0x164: {  	_ =	swait.ge [sflag:s13], $0x4000  }
0x165: {  	[sflag:s13] =	ssyncset.done $0x0  }
0x166: {  	s12 =	rddreg [dreg:$0x9];
	[sflag:s13] =	ssyncadd.s32 $0xFFFFC000  }
0x167: {  	[tilespmem:s16], [sflag:$0x1] =	stream.indirect.gather [hbm4b:s4+s15], $0x80, s12, s15, $0xb8;
	[tilespmem:$0x1CC00] =	vst v63  }
0x168: {  	_ =	swait.ge [sflag:s19], $0x4000  }
0x169: {  	[sflag:s19] =	ssyncset.done $0x0  }
0x16a: {  	s10 =	rddreg [dreg:$0xa];
	[sflag:s19] =	ssyncadd.s32 $0xFFFFC000  }
0x16b: {  	[spmem:s2] =	stream.indirect.scatter.add.f32 [tilespmem:s17], [sflag:$0x3], $0x80, s10, s15, $0xb8;
	[tilespmem:$0x1CC00] =	vst v63  }
0x16c: {  	_ =	swait.ge [sflag:s13], $0x4000  }
0x16d: {  	[sflag:s13] =	ssyncset.done $0x0  }
0x16e: {  	s11 =	rddreg [dreg:$0xb];
	[sflag:s13] =	ssyncadd.s32 $0xFFFFC000  }
0x16f: {  	[tilespmem:s17], [sflag:$0x2] =	stream.indirect.gather [hbm4b:s4+s15], $0x80, s11, s15, $0xb8;
	[tilespmem:$0x1CC00] =	vst v63  }
0x170: {  	_ =	swait.ge [sflag:s18], $0x4000  }
0x171: {  	[sflag:s18] =	ssyncset.done $0x0  }
0x172: {  	s12 =	rddreg [dreg:$0xc];
	[sflag:s18] =	ssyncadd.s32 $0xFFFFC000  }
0x173: {  	[spmem:s2] =	stream.indirect.scatter.add.f32 [tilespmem:s16], [sflag:$0x3], $0x80, s12, s15, $0xb8;
	[tilespmem:$0x1CC00] =	vst v63  }
0x174: {  	_ =	swait.ge [sflag:s13], $0x4000  }
0x175: {  	[sflag:s13] =	ssyncset.done $0x0  }
0x176: {  	s10 =	rddreg [dreg:$0xd];
	[sflag:s13] =	ssyncadd.s32 $0xFFFFC000  }
0x177: {  	[tilespmem:s16], [sflag:$0x1] =	stream.indirect.gather [hbm4b:s4+s15], $0x80, s10, s15, $0xb8;
	[tilespmem:$0x1CC00] =	vst v63  }
0x178: {  	_ =	swait.ge [sflag:s19], $0x4000  }
0x179: {  	[sflag:s19] =	ssyncset.done $0x0  }
0x17a: {  	s11 =	rddreg [dreg:$0xe];
	[sflag:s19] =	ssyncadd.s32 $0xFFFFC000  }
0x17b: {  	[spmem:s2] =	stream.indirect.scatter.add.f32 [tilespmem:s17], [sflag:$0x3], $0x80, s11, s15, $0xb8;
	[tilespmem:$0x1CC00] =	vst v63  }
0x17c: {  	_ =	swait.ge [sflag:s13], $0x4000  }
0x17d: {  	[sflag:s13] =	ssyncset.done $0x0  }
0x17e: {  	s12 =	rddreg [dreg:$0xf];
	[sflag:s13] =	ssyncadd.s32 $0xFFFFC000  }
0x17f: {  	[tilespmem:s17], [sflag:$0x2] =	stream.indirect.gather [hbm4b:s4+s15], $0x80, s12, s15, $0xb8;
	[tilespmem:$0x1CC00] =	vst v63  }
0x180: {  	_ =	swait.ge [sflag:s18], $0x4000  }
0x181: {  	[sflag:s18] =	ssyncset.done $0x0  }
0x182: {  	s10 =	rddreg [dreg:$0x10];
	[sflag:s18] =	ssyncadd.s32 $0xFFFFC000  }
0x183: {  	[spmem:s2] =	stream.indirect.scatter.add.f32 [tilespmem:s16], [sflag:$0x3], $0x80, s10, s15, $0xb8;
	[tilespmem:$0x1CC00] =	vst v63  }
0x184: {  	_ =	swait.ge [sflag:s13], $0x4000  }
0x185: {  	[sflag:s13] =	ssyncset.done $0x0  }
0x186: {  	[sflag:s13] =	ssyncadd.s32 $0xFFFFC000  }
0x187: {  	[tilespmem:s16], [sflag:$0x1] =	stream.indirect.gather [hbm4b:s4+s15], $0x80, s20, s15, $0xb8;
	[tilespmem:$0x1CC00] =	vst v63  }
0x188: {  	_ =	swait.ge [sflag:s19], $0x4000  }
0x189: {  	[sflag:s19] =	ssyncset.done $0x0  }
0x18a: {  	[sflag:s19] =	ssyncadd.s32 $0xFFFFC000  }
0x18b: {  	[spmem:s2] =	stream.indirect.scatter.add.f32 [tilespmem:s17], [sflag:$0x3], $0x80, s21, s15, $0xb8;
	[tilespmem:$0x1CC00] =	vst v63  }
0x18c: {  	_ =	swait.ge [sflag:s13], $0x4000  }
0x18d: {  	[sflag:s13] =	ssyncset.done $0x0  }
0x18e: {  	[sflag:s13] =	ssyncadd.s32 $0xFFFFC000  }
0x18f: {  	[tilespmem:s17], [sflag:$0x2] =	stream.indirect.gather [hbm4b:s4+s15], $0x80, s22, s15, $0xb8;
	[tilespmem:$0x1CC00] =	vst v63  }
0x190: {  	_ =	swait.ge [sflag:s18], $0x4000  }
0x191: {  	[sflag:s18] =	ssyncset.done $0x0  }
0x192: {  	[sflag:s18] =	ssyncadd.s32 $0xFFFFC000  }
0x193: {  	[spmem:s2] =	stream.indirect.scatter.add.f32 [tilespmem:s16], [sflag:$0x3], $0x80, s23, s15, $0xb8;
	[tilespmem:$0x1CC00] =	vst v63  }
0x194: {  	_ =	swait.ge [sflag:s13], $0x4000  }
0x195: {  	[sflag:s13] =	ssyncset.done $0x0  }
0x196: {  	[sflag:s13] =	ssyncadd.s32 $0xFFFFC000  }
0x197: {  	[tilespmem:s16], [sflag:$0x1] =	stream.indirect.gather [hbm4b:s4+s15], $0x80, s24, s15, $0xb8;
	[tilespmem:$0x1CC00] =	vst v63  }
0x198: {  	_ =	swait.ge [sflag:s19], $0x4000  }
0x199: {  	[sflag:s19] =	ssyncset.done $0x0  }
0x19a: {  	[sflag:s19] =	ssyncadd.s32 $0xFFFFC000  }
0x19b: {  	[spmem:s2] =	stream.indirect.scatter.add.f32 [tilespmem:s17], [sflag:$0x3], $0x80, s25, s15, $0xb8;
	[tilespmem:$0x1CC00] =	vst v63  }
0x19c: {  	_ =	swait.ge [sflag:s13], $0x4000  }
0x19d: {  	[sflag:s13] =	ssyncset.done $0x0  }
0x19e: {  	[sflag:s13] =	ssyncadd.s32 $0xFFFFC000  }
0x19f: {  	[tilespmem:s17], [sflag:$0x2] =	stream.indirect.gather [hbm4b:s4+s15], $0x80, s26, s15, $0xb8;
	[tilespmem:$0x1CC00] =	vst v63  }
0x1a0: {  	_ =	swait.ge [sflag:s18], $0x4000  }
0x1a1: {  	[sflag:s18] =	ssyncset.done $0x0  }
0x1a2: {  	[sflag:s18] =	ssyncadd.s32 $0xFFFFC000  }
0x1a3: {  	[spmem:s2] =	stream.indirect.scatter.add.f32 [tilespmem:s16], [sflag:$0x3], $0x80, s28, s15, $0xb8;
	[tilespmem:$0x1CC00] =	vst v63  }
0x1a4: {  	_ =	swait.ge [sflag:s13], $0x4000  }
0x1a5: {  	[sflag:s13] =	ssyncset.done $0x0  }
0x1a6: {  	[sflag:s13] =	ssyncadd.s32 $0xFFFFC000  }
0x1a7: {  	[tilespmem:s16], [sflag:$0x1] =	stream.indirect.gather [hbm4b:s4+s15], $0x80, s29, s15, $0xb8;
	[tilespmem:$0x1CC00] =	vst v63  }
0x1a8: {  	_ =	swait.ge [sflag:s19], $0x4000  }
0x1a9: {  	[sflag:s19] =	ssyncset.done $0x0  }
0x1aa: {  	[sflag:s19] =	ssyncadd.s32 $0xFFFFC000  }
0x1ab: {  	[spmem:s2] =	stream.indirect.scatter.add.f32 [tilespmem:s17], [sflag:$0x3], $0x80, s30, s15, $0xb8;
	[tilespmem:$0x1CC00] =	vst v63  }
0x1ac: {  	_ =	swait.ge [sflag:s13], $0x4000  }
0x1ad: {  	[sflag:s13] =	ssyncset.done $0x0  }
0x1ae: {  	[sflag:s13] =	ssyncadd.s32 $0xFFFFC000  }
0x1af: {  	[tilespmem:s17], [sflag:$0x2] =	stream.indirect.gather [hbm4b:s4+s15], $0x80, s31, s15, $0xb8;
	[tilespmem:$0x1CC00] =	vst v63  }
0x1b0: {  	_ =	swait.ge [sflag:s18], $0x4000  }
0x1b1: {  	[sflag:s18] =	ssyncset.done $0x0  }
0x1b2: {  	[sflag:s18] =	ssyncadd.s32 $0xFFFFC000  }
0x1b3: {  	[spmem:s2] =	stream.indirect.scatter.add.f32 [tilespmem:s16], [sflag:$0x3], $0x80, s1, s15, $0xb8;
	[tilespmem:$0x1CC00] =	vst v63  }
0x1b4: {  	_ =	swait.ge [sflag:s13], $0x4000  }
0x1b5: {  	[sflag:s13] =	ssyncset.done $0x0  }
0x1b6: {  	[sflag:s13] =	ssyncadd.s32 $0xFFFFC000  }
0x1b7: {  	[tilespmem:s16], [sflag:$0x1] =	stream.indirect.gather [hbm4b:s4+s15], $0x80, s0, s15, $0xb8;
	[tilespmem:$0x1CC00] =	vst v63  }
0x1b8: {  	_ =	swait.ge [sflag:s19], $0x4000  }
0x1b9: {  	[sflag:s19] =	ssyncset.done $0x0  }
0x1ba: {  	[sflag:s19] =	ssyncadd.s32 $0xFFFFC000  }
0x1bb: {  	[spmem:s2] =	stream.indirect.scatter.add.f32 [tilespmem:s17], [sflag:$0x3], $0x80, s6, s15, $0xb8;
	[tilespmem:$0x1CC00] =	vst v63  }
0x1bc: {  	_ =	swait.ge [sflag:s13], $0x4000  }
0x1bd: {  	[sflag:s13] =	ssyncset.done $0x0  }
0x1be: {  	[sflag:s13] =	ssyncadd.s32 $0xFFFFC000  }
0x1bf: {  	[tilespmem:s17], [sflag:$0x2] =	stream.indirect.gather [hbm4b:s4+s15], $0x80, s7, s15, $0xb8;
	[tilespmem:$0x1CC00] =	vst v63  }
0x1c0: {  	_ =	swait.ge [sflag:s18], $0x4000  }
0x1c1: {  	[sflag:s18] =	ssyncset.done $0x0  }
0x1c2: {  	[sflag:s18] =	ssyncadd.s32 $0xFFFFC000  }
0x1c3: {  	[spmem:s2] =	stream.indirect.scatter.add.f32 [tilespmem:s16], [sflag:$0x3], $0x80, s8, s15, $0xb8;
	[tilespmem:$0x1CC00] =	vst v63  }
0x1c4: {  	_ =	swait.ge [sflag:s13], $0x4000  }
0x1c5: {  	[sflag:s13] =	ssyncset.done $0x0  }
0x1c6: {  	[sflag:s13] =	ssyncadd.s32 $0xFFFFC000  }
0x1c7: {  	_ =	swait.ge [sflag:s19], $0x4000  }
0x1c8: {  	[sflag:s19] =	ssyncset.done $0x0  }
0x1c9: {  	[sflag:s19] =	ssyncadd.s32 $0xFFFFC000  }
0x1ca: {  	[spmem:s2] =	stream.indirect.scatter.add.f32 [tilespmem:s17], [sflag:$0x3], $0x80, s9, s15, $0xb8;
	[tilespmem:$0x1CC00] =	vst v63  }
0x1cb: {  	_ =	swait.ge [sflag:s13], $0x4000  }
0x1cc: {  	[sflag:s13] =	ssyncset.done $0x0  }
0x1cd: {  	[sflag:s13] =	ssyncadd.s32 $0xFFFFC000  }
0x1ce: {  	s11 =	stileid.u32;
	[bflag:$0x0] =	sbarrier.arrive $0xFFFF  }
0x1cf: {  	s5 =	sshll.u32 s11, $0x6;
	s12 =	rddreg [dreg:$0x11]  }
0x1d0: {  	s5 =	sor.u32 $0x1C03, s5;
	s11 =	rddreg [dreg:$0x14];
	s10 =	sshrl.u32 s12, $0x3  }
0x1d1: {  	[hbm:s11], [sflag:s5] =	dma.local [spmem:s10], $0x2780  }
0x1d2: {  	_ =	swait.ge [sflag:s13], $0x2780  }
0x1d3: {  	s11 =	rddreg [dreg:$0x19]  }
0x1d4: {  	s12 =	rddreg [dreg:$0x15];
	s10 =	sadd.s32 $0x1, s11  }
0x1d5: {  	p1 =	sne.s32 s10, s12  }
.Ltmp1:
0x1d6: {  	_ = 	snop;
	(pc) =	sbr.rel @p1 .LBB2_1-.Ltmp1, $3  }
0x1d7: {  	_ =	sdelay $0x1  }
0x1d8: {  	[sflag:s13] =	ssyncset.done $0x0  }
0x1d9: {  	[sflag:s13] =	ssyncadd.s32 $0xFFFFD880  }
0x1da: {  	_ =	sfence.sel $0x180000  }
0x1db: {  	[bflag:$0x0] =	sbarrier.arrive $0xFFFF  }
0x1dc: {  	_ =	strace $0x9000004A  }
0x1dd: {  	s0 =	stileid.u32;
	[bflag:$0x2] =	sbarrier.arrive $0xFFFF  }
0x1de: {  	p0 =	sne.s32 s0, $0x0;
	s0 =	rddreg [dreg:$0x2]  }
0x1df: {  	s0 =	sadd.s32 @!p0 $0x100000, s0  }
0x1e0: {  	[sflag:s0] =	ssyncadd.tile.s32 @!p0 $0x1;
	_ =	shalt  }
.Lfunc_end2:
_tile_overlayer_lowered:
.L_overlay_start_2:
0x1e1: {  	(tag) =	ssettag $0x2  }
0x1e2: {  	s0 =	rddreg [dreg:$0x0];
	s2 =	stileid.u32  }
0x1e3: {  	s1 =	rddreg [dreg:$0x1];
	p0 =	sne.s32 s2, $0x0  }
0x1e4: {  	s3 =	rddreg [dreg:$0x2];
	[bflag:$0x3] =	sbarrier.arrive $0xFFFF;
	s2 =	simm.s32 @!p0 $0x1C03  }
0x1e5: {  	[timem:s3], [sflag:s2] =	dma.local @!p0 [hbm:s0], s1  }
0x1e6: {  	s0 =	simm.s32 @!p0 $0x3  }
0x1e7: {  	_ =	swait.ge @!p0 [sflag:s0], s1  }
0x1e8: {  	s1 =	ssub.s32 @!p0 $0x0, s1;
	[sflag:s0] =	ssyncset.done @!p0 $0x0  }
0x1e9: {  	[sflag:s0] =	ssyncadd.s32 @!p0 s1  }
0x1ea: {  	[bflag:$0x3] =	sbarrier.arrive $0xFFFF  }
0x1eb: {  	_ =	shalt  }

</sc_bundles>
